<compile_context>
chip_gen: v7x
topology: tpu7x:2x2x1
jax: 0.10.2.dev20260603
libtpu: 0.0.44.dev20260713+nightly
codegen_flags: <defaults>
</compile_context>

<pallas_src>
import functools

import jax
import jax.numpy as jnp
from jax import lax
from jax.experimental import pallas as pl
from jax.experimental.pallas import tpu as pltpu
from jax.experimental.pallas import tpu_sc as plsc

_F32 = jnp.float32


def _dot(a, b):
    return jnp.dot(a, b, preferred_element_type=_F32)


def _dotx(a, b):
    return jnp.dot(a, b, preferred_element_type=_F32,
                   precision=lax.Precision.HIGHEST)



def _proj_body(h_ref, oh_ref, g_ref, w1s_ref, w1d_ref, w1g_ref, b1_ref,
               a_ref, b_ref):
    h = h_ref[...]
    a_ref[...] = _dot(h, w1s_ref[...])
    g1 = _dot(g_ref[...], w1g_ref[...])
    b_ref[...] = _dot(h, w1d_ref[...]) + _dotx(oh_ref[...], g1) + b1_ref[...]


def _node_proj(h, oh, g, w1s, w1d, w1g, b1, blk):
    n, hd = h.shape
    gn = g.shape[0]
    grid = n // blk
    return pl.pallas_call(
        _proj_body,
        grid=(grid,),
        in_specs=[
            pl.BlockSpec((blk, hd), lambda i: (i, 0)),
            pl.BlockSpec((blk, gn), lambda i: (i, 0)),
            pl.BlockSpec(g.shape, lambda i: (0, 0)),
            pl.BlockSpec(w1s.shape, lambda i: (0, 0)),
            pl.BlockSpec(w1d.shape, lambda i: (0, 0)),
            pl.BlockSpec(w1g.shape, lambda i: (0, 0)),
            pl.BlockSpec(b1.shape, lambda i: (0, 0)),
        ],
        out_specs=[
            pl.BlockSpec((blk, 64), lambda i: (i, 0)),
            pl.BlockSpec((blk, 64), lambda i: (i, 0)),
        ],
        out_shape=[
            jax.ShapeDtypeStruct((n, 64), _F32),
            jax.ShapeDtypeStruct((n, 64), _F32),
        ],
    )(h, oh, g, w1s, w1d, w1g, b1)



def _gather_add_sc(src2d, dst2d, tab_a, tab_b):
    nrows, ch = src2d.shape
    n, d = tab_a.shape
    e_total = nrows * ch
    info = plsc.get_sparse_core_info()
    nw = info.num_cores * info.num_subcores
    epw = e_total // nw
    nch = epw // ch
    mesh = plsc.VectorSubcoreMesh(core_axis_name="c", subcore_axis_name="s")

    @functools.partial(
        pl.kernel,
        mesh=mesh,
        out_type=jax.ShapeDtypeStruct((e_total, d), _F32),
        compiler_params=pltpu.CompilerParams(use_tc_tiling_on_sc=False),
        scratch_types=[
            pltpu.VMEM((nch, ch), jnp.int32),
            pltpu.VMEM((nch, ch), jnp.int32),
            pltpu.VMEM((2, ch, d), _F32),
            pltpu.VMEM((2, ch, d), _F32),
            pltpu.VMEM((2, ch, d), _F32),
            pltpu.SemaphoreType.DMA,
            pltpu.SemaphoreType.DMA,
            pltpu.SemaphoreType.DMA,
            pltpu.SemaphoreType.DMA,
        ],
    )
    def body(src_hbm, dst_hbm, a_hbm, b_hbm, pre_hbm,
             idxs_v, idxd_v, ra_v, rb_v, out_v, gs0, gs1, os0, os1):
        wid = lax.axis_index("s") * info.num_cores + lax.axis_index("c")
        base = wid * epw
        brow = wid * nch
        gsem = (gs0, gs1)
        osem = (os0, os1)
        pltpu.sync_copy(src_hbm.at[pl.ds(brow, nch), :], idxs_v)
        pltpu.sync_copy(dst_hbm.at[pl.ds(brow, nch), :], idxd_v)

        def start_gather(k, b):
            pltpu.async_copy(a_hbm.at[idxs_v.at[k]], ra_v.at[b], gsem[b])
            pltpu.async_copy(b_hbm.at[idxd_v.at[k]], rb_v.at[b], gsem[b])

        def step(k, b):
            pltpu.make_async_copy(a_hbm.at[idxs_v.at[k]], ra_v.at[b], gsem[b]).wait()
            pltpu.make_async_copy(b_hbm.at[idxd_v.at[k]], rb_v.at[b], gsem[b]).wait()

            @pl.when(k + 1 < nch)
            def _():
                start_gather(k + 1, 1 - b)

            @pl.when(k >= 2)
            def _():
                pltpu.make_async_copy(
                    out_v.at[b], pre_hbm.at[pl.ds(base + (k - 2) * ch, ch), :],
                    osem[b]).wait()

            def row(r, _):
                for j in range(d // 16):
                    sl = pl.ds(j * 16, 16)
                    out_v[b, r, sl] = ra_v[b, r, sl] + rb_v[b, r, sl]
                return 0

            lax.fori_loop(0, ch, row, 0)
            pltpu.async_copy(out_v.at[b], pre_hbm.at[pl.ds(base + k * ch, ch), :],
                             osem[b])

        start_gather(0, 0)

        def pair(j, _):
            step(2 * j, 0)
            step(2 * j + 1, 1)
            return 0

        lax.fori_loop(0, nch // 2, pair, 0)
        if nch % 2:
            step(nch - 1, 0)
        lb = (nch - 1) % 2
        pltpu.make_async_copy(
            out_v.at[lb], pre_hbm.at[pl.ds(base + (nch - 1) * ch, ch), :],
            osem[lb]).wait()
        pltpu.make_async_copy(
            out_v.at[1 - lb], pre_hbm.at[pl.ds(base + (nch - 2) * ch, ch), :],
            osem[1 - lb]).wait()

    return body(src2d, dst2d, tab_a, tab_b)



def _edge_body(pre_ref, e_ref, w1e_ref, w2_ref, b2_ref, wa_ref, ba_ref,
               we1_ref, be1_ref, we2_ref, be2_ref, eout_ref, msg_ref):
    e = e_ref[...]
    t = jnp.maximum(pre_ref[...] + _dot(e, w1e_ref[...]), 0.0)
    m = jnp.maximum(_dot(t, w2_ref[...]) + b2_ref[...], 0.0)
    att = jax.nn.sigmoid(_dot(m, wa_ref[...]) + ba_ref[0, 0])
    eu = _dot(jnp.maximum(_dot(m, we1_ref[...]) + be1_ref[...], 0.0),
              we2_ref[...]) + be2_ref[...]
    eout_ref[...] = jnp.maximum(e + eu, 0.0)
    msg_ref[...] = att * m


def _edge_mlp(pre, e, w1e, w2, b2, wa_row, ba, we1, be1, we2, be2, blk):
    e_total, ed = e.shape
    grid = e_total // blk
    full = lambda x: pl.BlockSpec(x.shape, lambda i: tuple(0 for _ in x.shape))
    return pl.pallas_call(
        _edge_body,
        grid=(grid,),
        in_specs=[
            pl.BlockSpec((blk, 64), lambda i: (i, 0)),
            pl.BlockSpec((blk, ed), lambda i: (i, 0)),
            full(w1e), full(w2), full(b2), full(wa_row), full(ba),
            full(we1), full(be1), full(we2), full(be2),
        ],
        out_specs=[
            pl.BlockSpec((blk, ed), lambda i: (i, 0)),
            pl.BlockSpec((blk, 64), lambda i: (i, 0)),
        ],
        out_shape=[
            jax.ShapeDtypeStruct((e_total, ed), _F32),
            jax.ShapeDtypeStruct((e_total, 64), _F32),
        ],
    )(pre, e, w1e, w2, b2, wa_row, ba, we1, be1, we2, be2)



def _scatter_add_sc(dst2d, msg, n):
    e_total, d = msg.shape
    nrows, ch = dst2d.shape
    info = plsc.get_sparse_core_info()
    nc, ns = info.num_cores, info.num_subcores
    nw = nc * ns
    epw = e_total // nw
    nch = epw // ch
    rows_per_sub = n // ns
    mesh = plsc.VectorSubcoreMesh(core_axis_name="c", subcore_axis_name="s")
    zeros = jnp.zeros((n, d), _F32)

    @functools.partial(
        pl.kernel,
        mesh=mesh,
        out_type=jax.ShapeDtypeStruct((nc, n, d), _F32),
        compiler_params=pltpu.CompilerParams(use_tc_tiling_on_sc=False),
        scratch_types=[
            pltpu.VMEM_SHARED((n, d), _F32),
            pltpu.VMEM((nch, ch), jnp.int32),
            pltpu.VMEM((2, ch, d), _F32),
            pltpu.SemaphoreType.DMA,
            pltpu.SemaphoreType.DMA,
            pltpu.SemaphoreType.DMA,
            pltpu.SemaphoreType.DMA,
        ],
    )
    def body(dst_hbm, msg_hbm, zero_hbm, out_hbm, acc_sh, idx_v, msg_v,
             ms0, ms1, ss0, ss1):
        cid = lax.axis_index("c")
        sid = lax.axis_index("s")
        wid = sid * nc + cid
        base = wid * epw
        brow = wid * nch
        msem = (ms0, ms1)
        ssem = (ss0, ss1)

        pltpu.async_copy(
            zero_hbm.at[pl.ds(sid * rows_per_sub, rows_per_sub), :],
            acc_sh.at[pl.ds(sid * rows_per_sub, rows_per_sub), :], ss0)
        pltpu.sync_copy(dst_hbm.at[pl.ds(brow, nch), :], idx_v)
        pltpu.make_async_copy(
            zero_hbm.at[pl.ds(sid * rows_per_sub, rows_per_sub), :],
            acc_sh.at[pl.ds(sid * rows_per_sub, rows_per_sub), :], ss0).wait()
        plsc.subcore_barrier()

        def start_msg(k, b):
            pltpu.async_copy(msg_hbm.at[pl.ds(base + k * ch, ch), :],
                             msg_v.at[b], msem[b])

        def step(k, b):
            pltpu.make_async_copy(msg_hbm.at[pl.ds(base + k * ch, ch), :],
                                  msg_v.at[b], msem[b]).wait()
            pltpu.async_copy(msg_v.at[b], acc_sh.at[idx_v.at[k]], ssem[b],
                             add=True)

            @pl.when(k + 1 < nch)
            def _():
                @pl.when(k >= 1)
                def _():
                    pltpu.make_async_copy(
                        msg_v.at[1 - b], acc_sh.at[idx_v.at[k - 1]],
                        ssem[1 - b]).wait()
                start_msg(k + 1, 1 - b)

        start_msg(0, 0)

        def pair(j, _):
            step(2 * j, 0)
            step(2 * j + 1, 1)
            return 0

        lax.fori_loop(0, nch // 2, pair, 0)
        if nch % 2:
            step(nch - 1, 0)
        lb = (nch - 1) % 2
        pltpu.make_async_copy(msg_v.at[lb], acc_sh.at[idx_v.at[nch - 1]],
                              ssem[lb]).wait()
        pltpu.make_async_copy(msg_v.at[1 - lb], acc_sh.at[idx_v.at[nch - 2]],
                              ssem[1 - lb]).wait()
        plsc.subcore_barrier()
        pltpu.sync_copy(
            acc_sh.at[pl.ds(sid * rows_per_sub, rows_per_sub), :],
            out_hbm.at[cid, pl.ds(sid * rows_per_sub, rows_per_sub), :])

    return body(dst2d, msg, zeros)



def _node_body(h_ref, macc_ref, oh_ref, g_ref, wh1h_ref, wh1m_ref, wh1g_ref,
               bh1_ref, wh2_ref, bh2_ref, wha_ref, bha_ref,
               wg1g_ref, wg1a_ref, bg1_ref, wg2_ref, bg2_ref,
               hout_ref, gout_ref, acc_ref):
    i = pl.program_id(0)

    @pl.when(i == 0)
    def _():
        acc_ref[...] = jnp.zeros_like(acc_ref)

    h = h_ref[...]
    ma = macc_ref[0] + macc_ref[1]
    oh = oh_ref[...]
    g = g_ref[...]
    gh = _dot(g, wh1g_ref[...])
    hc = (_dot(h, wh1h_ref[...]) + _dot(ma, wh1m_ref[...]) + _dotx(oh, gh)
          + bh1_ref[...])
    hu = _dot(jnp.maximum(hc, 0.0), wh2_ref[...]) + bh2_ref[...]
    h_out = jnp.maximum(h + hu, 0.0)
    hout_ref[...] = h_out
    h_att = _dot(h_out, wha_ref[...]) + bha_ref[0, 0]
    acc_ref[...] += lax.dot_general(oh, h_att * h_out,
                                    dimension_numbers=(((0,), (0,)), ((), ())),
                                    preferred_element_type=_F32,
                                    precision=lax.Precision.HIGHEST)

    @pl.when(i == pl.num_programs(0) - 1)
    def _():
        ha = acc_ref[...]
        gc = jnp.maximum(_dot(g, wg1g_ref[...]) + _dot(ha, wg1a_ref[...])
                         + bg1_ref[...], 0.0)
        gu = _dot(gc, wg2_ref[...]) + bg2_ref[...]
        gout_ref[...] = jnp.maximum(g + gu, 0.0)


def _node_graph(h, macc, oh, g, wh1h, wh1m, wh1g, bh1, wh2, bh2, wha_row, bha,
                wg1g, wg1a, bg1, wg2, bg2, blk):
    n, hd = h.shape
    gn, gd = g.shape
    grid = n // blk
    full = lambda x: pl.BlockSpec(x.shape, lambda i: tuple(0 for _ in x.shape))
    return pl.pallas_call(
        _node_body,
        grid=(grid,),
        in_specs=[
            pl.BlockSpec((blk, hd), lambda i: (i, 0)),
            pl.BlockSpec((2, blk, 64), lambda i: (0, i, 0)),
            pl.BlockSpec((blk, gn), lambda i: (i, 0)),
            full(g), full(wh1h), full(wh1m), full(wh1g), full(bh1),
            full(wh2), full(bh2), full(wha_row), full(bha),
            full(wg1g), full(wg1a), full(bg1), full(wg2), full(bg2),
        ],
        out_specs=[
            pl.BlockSpec((blk, hd), lambda i: (i, 0)),
            pl.BlockSpec((gn, gd), lambda i: (0, 0)),
        ],
        out_shape=[
            jax.ShapeDtypeStruct((n, hd), _F32),
            jax.ShapeDtypeStruct((gn, gd), _F32),
        ],
        scratch_shapes=[pltpu.VMEM((gn, hd), _F32)],
    )(h, macc, oh, g, wh1h, wh1m, wh1g, bh1, wh2, bh2, wha_row, bha,
      wg1g, wg1a, bg1, wg2, bg2)



def kernel(h, e_index, e, g, batch, params):
    p = params
    n, hd = h.shape
    gn = g.shape[0]
    src, dst = e_index[0], e_index[1]

    oh = (batch[:, None] == jnp.arange(gn, dtype=batch.dtype)[None, :])
    oh = oh.astype(_F32)

    w1 = p['W1']
    w1s, w1d, w1e, w1g = w1[:hd], w1[hd:2 * hd], w1[2 * hd:2 * hd + 16], w1[2 * hd + 16:]
    b1 = p['b1'].reshape(1, -1)
    b2 = p['b2'].reshape(1, -1)
    wa_row = p['Wa']
    ba = p['ba'].reshape(1, 1)
    be1 = p['be1'].reshape(1, -1)
    be2 = p['be2'].reshape(1, -1)
    wh1 = p['Wh1']
    wh1h, wh1m, wh1g = wh1[:hd], wh1[hd:hd + 64], wh1[hd + 64:]
    bh1 = p['bh1'].reshape(1, -1)
    bh2 = p['bh2'].reshape(1, -1)
    wha_row = p['Wha']
    bha = p['bha'].reshape(1, 1)
    wg1 = p['Wg1']
    wg1g, wg1a = wg1[:gn], wg1[gn:]
    bg1 = p['bg1'].reshape(1, -1)
    bg2 = p['bg2'].reshape(1, -1)

    e_total = src.shape[0]
    epw = e_total // 32
    ch = next(c for c in range(128, 7, -8) if epw % c == 0)
    src2d = src.reshape(-1, ch)
    dst2d = dst.reshape(-1, ch)

    tab_a, tab_b = _node_proj(h, oh, g, w1s, w1d, w1g, b1, blk=1000)
    pre = _gather_add_sc(src2d, dst2d, tab_a, tab_b)
    e_out, msg = _edge_mlp(pre, e, w1e, p['W2'], b2, wa_row, ba,
                           p['We1'], be1, p['We2'], be2, blk=4000)
    macc = _scatter_add_sc(dst2d, msg, n)
    h_out, g_out = _node_graph(h, macc, oh, g, wh1h, wh1m, wh1g, bh1,
                               p['Wh2'], bh2, wha_row, bha,
                               wg1g, wg1a, bg1, p['Wg2'], bg2, blk=1000)
    return (h_out, e_out, g_out)

# --- scband reference (transcript-rebuilt; emitter-appended) ---
"""Pipeline reference for scband-global-mpnnlayer2-14620068675878 (READ-ONLY COPY).

The authoritative reference and input builder live on the scoring server;
editing this copy changes nothing except your own understanding.
"""

import jax, jax.numpy as jnp
import numpy as np


def _init_params(key):
    dims = {
        'W1': (336, 64), 'b1': (64,),
        'W2': (64, 64), 'b2': (64,),
        'Wa': (64, 1), 'ba': (1,),
        'We1': (64, 16), 'be1': (16,),
        'We2': (16, 16), 'be2': (16,),
        'Wh1': (256, 128), 'bh1': (128,),
        'Wh2': (128, 128), 'bh2': (128,),
        'Wha': (128, 1), 'bha': (1,),
        'Wg1': (192, 64), 'bg1': (64,),
        'Wg2': (64, 64), 'bg2': (64,),
    }
    params = {}
    for i, (name, shp) in enumerate(sorted(dims.items())):
        k = jax.random.fold_in(key, i)
        if name.startswith('W'):
            params[name] = jax.random.normal(k, shp, jnp.float32) / np.sqrt(shp[0])
        else:
            params[name] = jnp.zeros(shp, jnp.float32)
    return params


def setup_inputs(seed: int = 0):
    key = jax.random.key(seed)
    k0, k1, k2, k3, k4, k5 = jax.random.split(key, 6)
    N, E, Gn = 10000, 320000, 64
    h = jax.random.normal(k0, (N, 128), jnp.float32)
    e_index = jax.random.randint(k1, (2, E), 0, N, dtype=jnp.int32)
    e = jax.random.normal(k2, (E, 16), jnp.float32)
    g = jax.random.normal(k3, (Gn, 64), jnp.float32)
    batch = jnp.sort(jax.random.randint(k4, (N,), 0, Gn, dtype=jnp.int32))
    params = _init_params(k5)
    return {'h': h, 'e_index': e_index, 'e': e, 'g': g, 'batch': batch, 'params': params}


def _forward(h, e, g, params, e_index, batch):
    p = params
    src, dst = e_index[0], e_index[1]
    e_batch = batch[dst]
    m_cat = jnp.concatenate([h[src], h[dst], e, g[e_batch]], axis=1)
    m = jax.nn.relu(jax.nn.relu(m_cat @ p['W1'] + p['b1']) @ p['W2'] + p['b2'])
    m_att = jax.nn.sigmoid(m @ p['Wa'] + p['ba'])
    e_update = jax.nn.relu(m @ p['We1'] + p['be1']) @ p['We2'] + p['be2']
    e_out = jax.nn.relu(e + e_update)
    m_aggr = jax.ops.segment_sum(m_att * m, dst, num_segments=h.shape[0])
    h_cat = jnp.concatenate([h, m_aggr, g[batch]], axis=1)
    h_update = jax.nn.relu(h_cat @ p['Wh1'] + p['bh1']) @ p['Wh2'] + p['bh2']
    h_out = jax.nn.relu(h + h_update)
    h_att = h_out @ p['Wha'] + p['bha']
    h_aggr = jax.ops.segment_sum(h_att * h_out, batch, num_segments=g.shape[0])
    g_cat = jnp.concatenate([g, h_aggr], axis=1)
    g_update = jax.nn.relu(g_cat @ p['Wg1'] + p['bg1']) @ p['Wg2'] + p['bg2']
    g_out = jax.nn.relu(g + g_update)
    return (h_out, e_out, g_out)


def reference(h, e_index, e, g, batch, params):
    return _forward(h, e, g, params, e_index, batch)

if __name__ == "__main__":
    import jax
    _d = setup_inputs()
    print(jax.jit(kernel)(*tuple(_d.values())))

</pallas_src>

<mosaic_0001>
#map = affine_map<(d0, d1) -> (0, 0)>
module attributes {stable_mosaic.version = 14 : i64} {
  func.func @body(%arg0: i32, %arg1: i32, %arg2: memref<4000x80xi32, #tpu.memory_space<hbm>>, %arg3: memref<4000x80xi32, #tpu.memory_space<hbm>>, %arg4: memref<10000x64xf32, #tpu.memory_space<hbm>>, %arg5: memref<10000x64xf32, #tpu.memory_space<hbm>>, %arg6: memref<320000x64xf32, #tpu.memory_space<hbm>>, %arg7: memref<125x80xi32, #tpu.memory_space<vmem>>, %arg8: memref<125x80xi32, #tpu.memory_space<vmem>>, %arg9: memref<2x80x64xf32, #tpu.memory_space<vmem>>, %arg10: memref<2x80x64xf32, #tpu.memory_space<vmem>>, %arg11: memref<2x80x64xf32, #tpu.memory_space<vmem>>, %arg12: memref<!tpu.dma_semaphore, #tpu.memory_space<semaphore_mem>>, %arg13: memref<!tpu.dma_semaphore, #tpu.memory_space<semaphore_mem>>, %arg14: memref<!tpu.dma_semaphore, #tpu.memory_space<semaphore_mem>>, %arg15: memref<!tpu.dma_semaphore, #tpu.memory_space<semaphore_mem>>) attributes {dimension_semantics = [#tpu.dimension_semantics<core_parallel>, #tpu.dimension_semantics<subcore_parallel>], iteration_bounds = array<i64: 2, 16>, scalar_prefetch = 0 : i64, scratch_operands = 9 : i64, tpu.core_type = #tpu.core_type<sc_vector_subcore>, window_params = [{transform_indices = #map}, {transform_indices = #map}, {transform_indices = #map}, {transform_indices = #map}, {transform_indices = #map}]} {
    %mul3A = arith.constant 2 : i32
    %mul3A_0 = arith.muli %arg1, %mul3A : i32
    %add3A = arith.addi %mul3A_0, %arg0 : i32
    %mul3A_1 = arith.constant 10000 : i32
    %mul3A_2 = arith.muli %add3A, %mul3A_1 : i32
    %mul3A_3 = arith.constant 125 : i32
    %mul3A_4 = arith.muli %add3A, %mul3A_3 : i32
    "tpu.region"() ({
      %run_scoped3A = tpu.sem_alloc : memref<!tpu.dma_semaphore, #tpu.memory_space<semaphore_mem>>
      %dma_start3A_124 = arith.constant 0 : i32
      %dma_start3A_125 = tpu.memref_slice %arg2[%mul3A_4, %dma_start3A_124] : memref<4000x80xi32, #tpu.memory_space<hbm>> -> memref<125x80xi32, #tpu.memory_space<hbm>>
      %dma_start3A_126 = arith.constant 0 : i32
      %dma_start3A_127 = tpu.memref_slice %arg2[%mul3A_4, %dma_start3A_126] : memref<4000x80xi32, #tpu.memory_space<hbm>> -> memref<125x80xi32, #tpu.memory_space<hbm>>
      tpu.enqueue_dma source(%dma_start3A_127 : memref<125x80xi32, #tpu.memory_space<hbm>>) target(%arg7 : memref<125x80xi32, #tpu.memory_space<vmem>>) target_semaphore(%run_scoped3A : memref<!tpu.dma_semaphore, #tpu.memory_space<semaphore_mem>>)
      %dma_wait3A_128 = arith.constant 0 : i32
      %dma_wait3A_129 = tpu.memref_slice %arg2[%mul3A_4, %dma_wait3A_128] : memref<4000x80xi32, #tpu.memory_space<hbm>> -> memref<125x80xi32, #tpu.memory_space<hbm>>
      %dma_wait3A_130 = arith.constant 0 : i32
      %dma_wait3A_131 = tpu.memref_slice %arg2[%mul3A_4, %dma_wait3A_130] : memref<4000x80xi32, #tpu.memory_space<hbm>> -> memref<125x80xi32, #tpu.memory_space<hbm>>
      tpu.wait_dma2 semaphore(%run_scoped3A : memref<!tpu.dma_semaphore, #tpu.memory_space<semaphore_mem>>) src(%dma_wait3A_131 : memref<125x80xi32, #tpu.memory_space<hbm>>) dst(%arg7 : memref<125x80xi32, #tpu.memory_space<vmem>>)
      tpu.yield
    }) : () -> ()
    "tpu.region"() ({
      %run_scoped3A = tpu.sem_alloc : memref<!tpu.dma_semaphore, #tpu.memory_space<semaphore_mem>>
      %dma_start3A_124 = arith.constant 0 : i32
      %dma_start3A_125 = tpu.memref_slice %arg3[%mul3A_4, %dma_start3A_124] : memref<4000x80xi32, #tpu.memory_space<hbm>> -> memref<125x80xi32, #tpu.memory_space<hbm>>
      %dma_start3A_126 = arith.constant 0 : i32
      %dma_start3A_127 = tpu.memref_slice %arg3[%mul3A_4, %dma_start3A_126] : memref<4000x80xi32, #tpu.memory_space<hbm>> -> memref<125x80xi32, #tpu.memory_space<hbm>>
      tpu.enqueue_dma source(%dma_start3A_127 : memref<125x80xi32, #tpu.memory_space<hbm>>) target(%arg8 : memref<125x80xi32, #tpu.memory_space<vmem>>) target_semaphore(%run_scoped3A : memref<!tpu.dma_semaphore, #tpu.memory_space<semaphore_mem>>)
      %dma_wait3A_128 = arith.constant 0 : i32
      %dma_wait3A_129 = tpu.memref_slice %arg3[%mul3A_4, %dma_wait3A_128] : memref<4000x80xi32, #tpu.memory_space<hbm>> -> memref<125x80xi32, #tpu.memory_space<hbm>>
      %dma_wait3A_130 = arith.constant 0 : i32
      %dma_wait3A_131 = tpu.memref_slice %arg3[%mul3A_4, %dma_wait3A_130] : memref<4000x80xi32, #tpu.memory_space<hbm>> -> memref<125x80xi32, #tpu.memory_space<hbm>>
      tpu.wait_dma2 semaphore(%run_scoped3A : memref<!tpu.dma_semaphore, #tpu.memory_space<semaphore_mem>>) src(%dma_wait3A_131 : memref<125x80xi32, #tpu.memory_space<hbm>>) dst(%arg8 : memref<125x80xi32, #tpu.memory_space<vmem>>)
      tpu.yield
    }) : () -> ()
    %dma_start3A = arith.constant 0 : i32
    %dma_start3A_5 = arith.constant 0 : i32
    %dma_start3A_6 = arith.constant 0 : i32
    %dma_start3A_7 = arith.constant 0 : i32
    %dma_start3A_8 = tpu.memref_slice %arg9[%dma_start3A_5, %dma_start3A_6, %dma_start3A_7] : memref<2x80x64xf32, #tpu.memory_space<vmem>> -> memref<1x80x64xf32, #tpu.memory_space<vmem>>
    %dma_start3A_9 = tpu.memref_squeeze %dma_start3A_8 : memref<1x80x64xf32, #tpu.memory_space<vmem>> -> memref<80x64xf32, #tpu.memory_space<vmem>>
    %dma_start3A_10 = arith.constant 0 : i32
    %dma_start3A_11 = tpu.memref_slice %arg7[%dma_start3A, %dma_start3A_10] : memref<125x80xi32, #tpu.memory_space<vmem>> -> memref<1x80xi32, #tpu.memory_space<vmem>>
    %dma_start3A_12 = tpu.memref_squeeze %dma_start3A_11 : memref<1x80xi32, #tpu.memory_space<vmem>> -> memref<80xi32, #tpu.memory_space<vmem>>
    %dma_start3A_13 = arith.constant 0 : i32
    %dma_start3A_14 = arith.constant 0 : i32
    %dma_start3A_15 = tpu.memref_slice %arg4[%dma_start3A_13, %dma_start3A_14] : memref<10000x64xf32, #tpu.memory_space<hbm>> -> memref<10000x64xf32, #tpu.memory_space<hbm>>
    tpu.enqueue_indirect_dma source(%dma_start3A_15 : memref<10000x64xf32, #tpu.memory_space<hbm>>) target(%dma_start3A_9 : memref<80x64xf32, #tpu.memory_space<vmem>>) offsets(%dma_start3A_12 : memref<80xi32, #tpu.memory_space<vmem>>) semaphore(%arg12 : memref<!tpu.dma_semaphore, #tpu.memory_space<semaphore_mem>>)
    %dma_start3A_16 = arith.constant 0 : i32
    %dma_start3A_17 = arith.constant 0 : i32
    %dma_start3A_18 = arith.constant 0 : i32
    %dma_start3A_19 = arith.constant 0 : i32
    %dma_start3A_20 = tpu.memref_slice %arg10[%dma_start3A_17, %dma_start3A_18, %dma_start3A_19] : memref<2x80x64xf32, #tpu.memory_space<vmem>> -> memref<1x80x64xf32, #tpu.memory_space<vmem>>
    %dma_start3A_21 = tpu.memref_squeeze %dma_start3A_20 : memref<1x80x64xf32, #tpu.memory_space<vmem>> -> memref<80x64xf32, #tpu.memory_space<vmem>>
    %dma_start3A_22 = arith.constant 0 : i32
    %dma_start3A_23 = tpu.memref_slice %arg8[%dma_start3A_16, %dma_start3A_22] : memref<125x80xi32, #tpu.memory_space<vmem>> -> memref<1x80xi32, #tpu.memory_space<vmem>>
    %dma_start3A_24 = tpu.memref_squeeze %dma_start3A_23 : memref<1x80xi32, #tpu.memory_space<vmem>> -> memref<80xi32, #tpu.memory_space<vmem>>
    %dma_start3A_25 = arith.constant 0 : i32
    %dma_start3A_26 = arith.constant 0 : i32
    %dma_start3A_27 = tpu.memref_slice %arg5[%dma_start3A_25, %dma_start3A_26] : memref<10000x64xf32, #tpu.memory_space<hbm>> -> memref<10000x64xf32, #tpu.memory_space<hbm>>
    tpu.enqueue_indirect_dma source(%dma_start3A_27 : memref<10000x64xf32, #tpu.memory_space<hbm>>) target(%dma_start3A_21 : memref<80x64xf32, #tpu.memory_space<vmem>>) offsets(%dma_start3A_24 : memref<80xi32, #tpu.memory_space<vmem>>) semaphore(%arg12 : memref<!tpu.dma_semaphore, #tpu.memory_space<semaphore_mem>>)
    %scan3A = arith.constant 0 : i32
    %scan3A_28 = arith.constant 0 : i32
    %scan3A_29 = arith.constant 62 : i32
    %scan3A_30 = arith.addi %scan3A_28, %scan3A_29 : i32
    %scan3A_31 = arith.constant 1 : i32
    %scan3A_32 = scf.for %scan3A_124 = %scan3A_28 to %scan3A_30 step %scan3A_31 iter_args(%scan3A_125 = %scan3A) -> (i32)  : i32 {
      %mul3A_126 = arith.constant 2 : i32
      %mul3A_127 = arith.muli %mul3A_126, %scan3A_124 : i32
      %dma_wait3A_128 = arith.constant 0 : i32
      %dma_wait3A_129 = arith.constant 0 : i32
      %dma_wait3A_130 = arith.constant 0 : i32
      %dma_wait3A_131 = tpu.memref_slice %arg9[%dma_wait3A_128, %dma_wait3A_129, %dma_wait3A_130] : memref<2x80x64xf32, #tpu.memory_space<vmem>> -> memref<1x80x64xf32, #tpu.memory_space<vmem>>
      %dma_wait3A_132 = tpu.memref_squeeze %dma_wait3A_131 : memref<1x80x64xf32, #tpu.memory_space<vmem>> -> memref<80x64xf32, #tpu.memory_space<vmem>>
      %dma_wait3A_133 = arith.constant 0 : i32
      %dma_wait3A_134 = tpu.memref_slice %arg7[%mul3A_127, %dma_wait3A_133] : memref<125x80xi32, #tpu.memory_space<vmem>> -> memref<1x80xi32, #tpu.memory_space<vmem>>
      %dma_wait3A_135 = tpu.memref_squeeze %dma_wait3A_134 : memref<1x80xi32, #tpu.memory_space<vmem>> -> memref<80xi32, #tpu.memory_space<vmem>>
      %dma_wait3A_136 = arith.constant 0 : i32
      %dma_wait3A_137 = arith.constant 0 : i32
      %dma_wait3A_138 = tpu.memref_slice %arg4[%dma_wait3A_136, %dma_wait3A_137] : memref<10000x64xf32, #tpu.memory_space<hbm>> -> memref<10000x64xf32, #tpu.memory_space<hbm>>
      tpu.wait_indirect_dma semaphore(%arg12 : memref<!tpu.dma_semaphore, #tpu.memory_space<semaphore_mem>>) src(%dma_wait3A_138 : memref<10000x64xf32, #tpu.memory_space<hbm>>) dst(%dma_wait3A_132 : memref<80x64xf32, #tpu.memory_space<vmem>>)
      %dma_wait3A_139 = arith.constant 0 : i32
      %dma_wait3A_140 = arith.constant 0 : i32
      %dma_wait3A_141 = arith.constant 0 : i32
      %dma_wait3A_142 = tpu.memref_slice %arg10[%dma_wait3A_139, %dma_wait3A_140, %dma_wait3A_141] : memref<2x80x64xf32, #tpu.memory_space<vmem>> -> memref<1x80x64xf32, #tpu.memory_space<vmem>>
      %dma_wait3A_143 = tpu.memref_squeeze %dma_wait3A_142 : memref<1x80x64xf32, #tpu.memory_space<vmem>> -> memref<80x64xf32, #tpu.memory_space<vmem>>
      %dma_wait3A_144 = arith.constant 0 : i32
      %dma_wait3A_145 = tpu.memref_slice %arg8[%mul3A_127, %dma_wait3A_144] : memref<125x80xi32, #tpu.memory_space<vmem>> -> memref<1x80xi32, #tpu.memory_space<vmem>>
      %dma_wait3A_146 = tpu.memref_squeeze %dma_wait3A_145 : memref<1x80xi32, #tpu.memory_space<vmem>> -> memref<80xi32, #tpu.memory_space<vmem>>
      %dma_wait3A_147 = arith.constant 0 : i32
      %dma_wait3A_148 = arith.constant 0 : i32
      %dma_wait3A_149 = tpu.memref_slice %arg5[%dma_wait3A_147, %dma_wait3A_148] : memref<10000x64xf32, #tpu.memory_space<hbm>> -> memref<10000x64xf32, #tpu.memory_space<hbm>>
      tpu.wait_indirect_dma semaphore(%arg12 : memref<!tpu.dma_semaphore, #tpu.memory_space<semaphore_mem>>) src(%dma_wait3A_149 : memref<10000x64xf32, #tpu.memory_space<hbm>>) dst(%dma_wait3A_143 : memref<80x64xf32, #tpu.memory_space<vmem>>)
      %add3A_150 = arith.constant 1 : i32
      %add3A_151 = arith.addi %mul3A_127, %add3A_150 : i32
      %lt3A = arith.constant 125 : i32
      %lt3A_152 = arith.cmpi slt, %add3A_151, %lt3A : i32
      %convert_element_type3A = arith.extui %lt3A_152 : i1 to i32
      %cond3A = arith.constant 0 : i32
      %cond3A_153 = arith.cmpi ne, %convert_element_type3A, %cond3A : i32
      scf.if %cond3A_153 {
        %add3A_243 = arith.constant 1 : i32
        %add3A_244 = arith.addi %mul3A_127, %add3A_243 : i32
        %dma_start3A_245 = arith.constant 1 : i32
        %dma_start3A_246 = arith.constant 0 : i32
        %dma_start3A_247 = arith.constant 0 : i32
        %dma_start3A_248 = tpu.memref_slice %arg9[%dma_start3A_245, %dma_start3A_246, %dma_start3A_247] : memref<2x80x64xf32, #tpu.memory_space<vmem>> -> memref<1x80x64xf32, #tpu.memory_space<vmem>>
        %dma_start3A_249 = tpu.memref_squeeze %dma_start3A_248 : memref<1x80x64xf32, #tpu.memory_space<vmem>> -> memref<80x64xf32, #tpu.memory_space<vmem>>
        %dma_start3A_250 = arith.constant 0 : i32
        %dma_start3A_251 = tpu.memref_slice %arg7[%add3A_244, %dma_start3A_250] : memref<125x80xi32, #tpu.memory_space<vmem>> -> memref<1x80xi32, #tpu.memory_space<vmem>>
        %dma_start3A_252 = tpu.memref_squeeze %dma_start3A_251 : memref<1x80xi32, #tpu.memory_space<vmem>> -> memref<80xi32, #tpu.memory_space<vmem>>
        %dma_start3A_253 = arith.constant 0 : i32
        %dma_start3A_254 = arith.constant 0 : i32
        %dma_start3A_255 = tpu.memref_slice %arg4[%dma_start3A_253, %dma_start3A_254] : memref<10000x64xf32, #tpu.memory_space<hbm>> -> memref<10000x64xf32, #tpu.memory_space<hbm>>
        tpu.enqueue_indirect_dma source(%dma_start3A_255 : memref<10000x64xf32, #tpu.memory_space<hbm>>) target(%dma_start3A_249 : memref<80x64xf32, #tpu.memory_space<vmem>>) offsets(%dma_start3A_252 : memref<80xi32, #tpu.memory_space<vmem>>) semaphore(%arg13 : memref<!tpu.dma_semaphore, #tpu.memory_space<semaphore_mem>>)
        %dma_start3A_256 = arith.constant 1 : i32
        %dma_start3A_257 = arith.constant 0 : i32
        %dma_start3A_258 = arith.constant 0 : i32
        %dma_start3A_259 = tpu.memref_slice %arg10[%dma_start3A_256, %dma_start3A_257, %dma_start3A_258] : memref<2x80x64xf32, #tpu.memory_space<vmem>> -> memref<1x80x64xf32, #tpu.memory_space<vmem>>
        %dma_start3A_260 = tpu.memref_squeeze %dma_start3A_259 : memref<1x80x64xf32, #tpu.memory_space<vmem>> -> memref<80x64xf32, #tpu.memory_space<vmem>>
        %dma_start3A_261 = arith.constant 0 : i32
        %dma_start3A_262 = tpu.memref_slice %arg8[%add3A_244, %dma_start3A_261] : memref<125x80xi32, #tpu.memory_space<vmem>> -> memref<1x80xi32, #tpu.memory_space<vmem>>
        %dma_start3A_263 = tpu.memref_squeeze %dma_start3A_262 : memref<1x80xi32, #tpu.memory_space<vmem>> -> memref<80xi32, #tpu.memory_space<vmem>>
        %dma_start3A_264 = arith.constant 0 : i32
        %dma_start3A_265 = arith.constant 0 : i32
        %dma_start3A_266 = tpu.memref_slice %arg5[%dma_start3A_264, %dma_start3A_265] : memref<10000x64xf32, #tpu.memory_space<hbm>> -> memref<10000x64xf32, #tpu.memory_space<hbm>>
        tpu.enqueue_indirect_dma source(%dma_start3A_266 : memref<10000x64xf32, #tpu.memory_space<hbm>>) target(%dma_start3A_260 : memref<80x64xf32, #tpu.memory_space<vmem>>) offsets(%dma_start3A_263 : memref<80xi32, #tpu.memory_space<vmem>>) semaphore(%arg13 : memref<!tpu.dma_semaphore, #tpu.memory_space<semaphore_mem>>)
      } else {
      }
      %ge3A = arith.constant 2 : i32
      %ge3A_154 = arith.cmpi sge, %mul3A_127, %ge3A : i32
      %convert_element_type3A_155 = arith.extui %ge3A_154 : i1 to i32
      %cond3A_156 = arith.constant 0 : i32
      %cond3A_157 = arith.cmpi ne, %convert_element_type3A_155, %cond3A_156 : i32
      scf.if %cond3A_157 {
        %sub3A = arith.constant 2 : i32
        %sub3A_243 = arith.subi %mul3A_127, %sub3A : i32
        %mul3A_244 = arith.constant 80 : i32
        %mul3A_245 = arith.muli %sub3A_243, %mul3A_244 : i32
        %add3A_246 = arith.addi %mul3A_2, %mul3A_245 : i32
        %dma_wait3A_247 = arith.constant 0 : i32
        %dma_wait3A_248 = arith.constant 0 : i32
        %dma_wait3A_249 = arith.constant 0 : i32
        %dma_wait3A_250 = tpu.memref_slice %arg11[%dma_wait3A_247, %dma_wait3A_248, %dma_wait3A_249] : memref<2x80x64xf32, #tpu.memory_space<vmem>> -> memref<1x80x64xf32, #tpu.memory_space<vmem>>
        %dma_wait3A_251 = tpu.memref_squeeze %dma_wait3A_250 : memref<1x80x64xf32, #tpu.memory_space<vmem>> -> memref<80x64xf32, #tpu.memory_space<vmem>>
        %dma_wait3A_252 = arith.constant 0 : i32
        %dma_wait3A_253 = tpu.memref_slice %arg6[%add3A_246, %dma_wait3A_252] : memref<320000x64xf32, #tpu.memory_space<hbm>> -> memref<80x64xf32, #tpu.memory_space<hbm>>
        %dma_wait3A_254 = arith.constant 0 : i32
        %dma_wait3A_255 = tpu.memref_slice %arg6[%add3A_246, %dma_wait3A_254] : memref<320000x64xf32, #tpu.memory_space<hbm>> -> memref<80x64xf32, #tpu.memory_space<hbm>>
        %dma_wait3A_256 = arith.constant 0 : i32
        %dma_wait3A_257 = arith.constant 0 : i32
        %dma_wait3A_258 = tpu.memref_slice %arg11[%dma_wait3A_247, %dma_wait3A_256, %dma_wait3A_257] : memref<2x80x64xf32, #tpu.memory_space<vmem>> -> memref<1x80x64xf32, #tpu.memory_space<vmem>>
        %dma_wait3A_259 = tpu.memref_squeeze %dma_wait3A_258 : memref<1x80x64xf32, #tpu.memory_space<vmem>> -> memref<80x64xf32, #tpu.memory_space<vmem>>
        tpu.wait_dma2 semaphore(%arg14 : memref<!tpu.dma_semaphore, #tpu.memory_space<semaphore_mem>>) src(%dma_wait3A_259 : memref<80x64xf32, #tpu.memory_space<vmem>>) dst(%dma_wait3A_255 : memref<80x64xf32, #tpu.memory_space<hbm>>)
      } else {
      }
      %scan3A_158 = arith.constant 0 : i32
      %scan3A_159 = arith.constant 0 : i32
      %scan3A_160 = arith.constant 80 : i32
      %scan3A_161 = arith.addi %scan3A_159, %scan3A_160 : i32
      %scan3A_162 = arith.constant 1 : i32
      %scan3A_163 = scf.for %scan3A_243 = %scan3A_159 to %scan3A_161 step %scan3A_162 iter_args(%scan3A_244 = %scan3A_158) -> (i32)  : i32 {
        %get3A = arith.constant 0 : i32
        %get3A_245 = arith.index_cast %get3A : i32 to index
        %get3A_246 = arith.index_cast %scan3A_243 : i32 to index
        %get3A_247 = arith.constant 0 : index
        %get3A_248 = tpu.vector_load %arg9[%get3A_245, %get3A_246, %get3A_247] {strides = array<i32>} : memref<2x80x64xf32, #tpu.memory_space<vmem>>, vector<1x1x16xf32>,
        %get3A_249 = vector.shape_cast %get3A_248 : vector<1x1x16xf32> to vector<16xf32>
        %get3A_250 = arith.constant 0 : i32
        %get3A_251 = arith.index_cast %get3A_250 : i32 to index
        %get3A_252 = arith.index_cast %scan3A_243 : i32 to index
        %get3A_253 = arith.constant 0 : index
        %get3A_254 = tpu.vector_load %arg10[%get3A_251, %get3A_252, %get3A_253] {strides = array<i32>} : memref<2x80x64xf32, #tpu.memory_space<vmem>>, vector<1x1x16xf32>,
        %get3A_255 = vector.shape_cast %get3A_254 : vector<1x1x16xf32> to vector<16xf32>
        %add3A_256 = arith.addf %get3A_249, %get3A_255 : vector<16xf32>
        %swap3A = arith.constant 0 : i32
        %swap3A_257 = arith.index_cast %swap3A : i32 to index
        %swap3A_258 = arith.index_cast %scan3A_243 : i32 to index
        %swap3A_259 = arith.constant 0 : index
        %swap3A_260 = tpu.vector_load %arg11[%swap3A_257, %swap3A_258, %swap3A_259] {strides = array<i32>} : memref<2x80x64xf32, #tpu.memory_space<vmem>>, vector<1x1x16xf32>,
        %swap3A_261 = vector.shape_cast %swap3A_260 : vector<1x1x16xf32> to vector<16xf32>
        %swap3A_262 = vector.shape_cast %add3A_256 : vector<16xf32> to vector<1x1x16xf32>
        tpu.vector_store %arg11[%swap3A_257, %swap3A_258, %swap3A_259], %swap3A_262 {strides = array<i32>} : memref<2x80x64xf32, #tpu.memory_space<vmem>>, vector<1x1x16xf32>,
        %get3A_263 = arith.constant 0 : i32
        %get3A_264 = arith.index_cast %get3A_263 : i32 to index
        %get3A_265 = arith.index_cast %scan3A_243 : i32 to index
        %get3A_266 = arith.constant 16 : index
        %get3A_267 = tpu.vector_load %arg9[%get3A_264, %get3A_265, %get3A_266] {strides = array<i32>} : memref<2x80x64xf32, #tpu.memory_space<vmem>>, vector<1x1x16xf32>,
        %get3A_268 = vector.shape_cast %get3A_267 : vector<1x1x16xf32> to vector<16xf32>
        %get3A_269 = arith.constant 0 : i32
        %get3A_270 = arith.index_cast %get3A_269 : i32 to index
        %get3A_271 = arith.index_cast %scan3A_243 : i32 to index
        %get3A_272 = arith.constant 16 : index
        %get3A_273 = tpu.vector_load %arg10[%get3A_270, %get3A_271, %get3A_272] {strides = array<i32>} : memref<2x80x64xf32, #tpu.memory_space<vmem>>, vector<1x1x16xf32>,
        %get3A_274 = vector.shape_cast %get3A_273 : vector<1x1x16xf32> to vector<16xf32>
        %add3A_275 = arith.addf %get3A_268, %get3A_274 : vector<16xf32>
        %swap3A_276 = arith.constant 0 : i32
        %swap3A_277 = arith.index_cast %swap3A_276 : i32 to index
        %swap3A_278 = arith.index_cast %scan3A_243 : i32 to index
        %swap3A_279 = arith.constant 16 : index
        %swap3A_280 = tpu.vector_load %arg11[%swap3A_277, %swap3A_278, %swap3A_279] {strides = array<i32>} : memref<2x80x64xf32, #tpu.memory_space<vmem>>, vector<1x1x16xf32>,
        %swap3A_281 = vector.shape_cast %swap3A_280 : vector<1x1x16xf32> to vector<16xf32>
        %swap3A_282 = vector.shape_cast %add3A_275 : vector<16xf32> to vector<1x1x16xf32>
        tpu.vector_store %arg11[%swap3A_277, %swap3A_278, %swap3A_279], %swap3A_282 {strides = array<i32>} : memref<2x80x64xf32, #tpu.memory_space<vmem>>, vector<1x1x16xf32>,
        %get3A_283 = arith.constant 0 : i32
        %get3A_284 = arith.index_cast %get3A_283 : i32 to index
        %get3A_285 = arith.index_cast %scan3A_243 : i32 to index
        %get3A_286 = arith.constant 32 : index
        %get3A_287 = tpu.vector_load %arg9[%get3A_284, %get3A_285, %get3A_286] {strides = array<i32>} : memref<2x80x64xf32, #tpu.memory_space<vmem>>, vector<1x1x16xf32>,
        %get3A_288 = vector.shape_cast %get3A_287 : vector<1x1x16xf32> to vector<16xf32>
        %get3A_289 = arith.constant 0 : i32
        %get3A_290 = arith.index_cast %get3A_289 : i32 to index
        %get3A_291 = arith.index_cast %scan3A_243 : i32 to index
        %get3A_292 = arith.constant 32 : index
        %get3A_293 = tpu.vector_load %arg10[%get3A_290, %get3A_291, %get3A_292] {strides = array<i32>} : memref<2x80x64xf32, #tpu.memory_space<vmem>>, vector<1x1x16xf32>,
        %get3A_294 = vector.shape_cast %get3A_293 : vector<1x1x16xf32> to vector<16xf32>
        %add3A_295 = arith.addf %get3A_288, %get3A_294 : vector<16xf32>
        %swap3A_296 = arith.constant 0 : i32
        %swap3A_297 = arith.index_cast %swap3A_296 : i32 to index
        %swap3A_298 = arith.index_cast %scan3A_243 : i32 to index
        %swap3A_299 = arith.constant 32 : index
        %swap3A_300 = tpu.vector_load %arg11[%swap3A_297, %swap3A_298, %swap3A_299] {strides = array<i32>} : memref<2x80x64xf32, #tpu.memory_space<vmem>>, vector<1x1x16xf32>,
        %swap3A_301 = vector.shape_cast %swap3A_300 : vector<1x1x16xf32> to vector<16xf32>
        %swap3A_302 = vector.shape_cast %add3A_295 : vector<16xf32> to vector<1x1x16xf32>
        tpu.vector_store %arg11[%swap3A_297, %swap3A_298, %swap3A_299], %swap3A_302 {strides = array<i32>} : memref<2x80x64xf32, #tpu.memory_space<vmem>>, vector<1x1x16xf32>,
        %get3A_303 = arith.constant 0 : i32
        %get3A_304 = arith.index_cast %get3A_303 : i32 to index
        %get3A_305 = arith.index_cast %scan3A_243 : i32 to index
        %get3A_306 = arith.constant 48 : index
        %get3A_307 = tpu.vector_load %arg9[%get3A_304, %get3A_305, %get3A_306] {strides = array<i32>} : memref<2x80x64xf32, #tpu.memory_space<vmem>>, vector<1x1x16xf32>,
        %get3A_308 = vector.shape_cast %get3A_307 : vector<1x1x16xf32> to vector<16xf32>
        %get3A_309 = arith.constant 0 : i32
        %get3A_310 = arith.index_cast %get3A_309 : i32 to index
        %get3A_311 = arith.index_cast %scan3A_243 : i32 to index
        %get3A_312 = arith.constant 48 : index
        %get3A_313 = tpu.vector_load %arg10[%get3A_310, %get3A_311, %get3A_312] {strides = array<i32>} : memref<2x80x64xf32, #tpu.memory_space<vmem>>, vector<1x1x16xf32>,
        %get3A_314 = vector.shape_cast %get3A_313 : vector<1x1x16xf32> to vector<16xf32>
        %add3A_315 = arith.addf %get3A_308, %get3A_314 : vector<16xf32>
        %swap3A_316 = arith.constant 0 : i32
        %swap3A_317 = arith.index_cast %swap3A_316 : i32 to index
        %swap3A_318 = arith.index_cast %scan3A_243 : i32 to index
        %swap3A_319 = arith.constant 48 : index
        %swap3A_320 = tpu.vector_load %arg11[%swap3A_317, %swap3A_318, %swap3A_319] {strides = array<i32>} : memref<2x80x64xf32, #tpu.memory_space<vmem>>, vector<1x1x16xf32>,
        %swap3A_321 = vector.shape_cast %swap3A_320 : vector<1x1x16xf32> to vector<16xf32>
        %swap3A_322 = vector.shape_cast %add3A_315 : vector<16xf32> to vector<1x1x16xf32>
        tpu.vector_store %arg11[%swap3A_317, %swap3A_318, %swap3A_319], %swap3A_322 {strides = array<i32>} : memref<2x80x64xf32, #tpu.memory_space<vmem>>, vector<1x1x16xf32>,
        %scan3A_323 = arith.constant 0 : i32
        scf.yield %scan3A_323 : i32
      }
      %scan3A_164 = arith.constant 80 : i32
      %mul3A_165 = arith.constant 80 : i32
      %mul3A_166 = arith.muli %mul3A_127, %mul3A_165 : i32
      %add3A_167 = arith.addi %mul3A_2, %mul3A_166 : i32
      %dma_start3A_168 = arith.constant 0 : i32
      %dma_start3A_169 = arith.constant 0 : i32
      %dma_start3A_170 = arith.constant 0 : i32
      %dma_start3A_171 = tpu.memref_slice %arg11[%dma_start3A_168, %dma_start3A_169, %dma_start3A_170] : memref<2x80x64xf32, #tpu.memory_space<vmem>> -> memref<1x80x64xf32, #tpu.memory_space<vmem>>
      %dma_start3A_172 = tpu.memref_squeeze %dma_start3A_171 : memref<1x80x64xf32, #tpu.memory_space<vmem>> -> memref<80x64xf32, #tpu.memory_space<vmem>>
      %dma_start3A_173 = arith.constant 0 : i32
      %dma_start3A_174 = tpu.memref_slice %arg6[%add3A_167, %dma_start3A_173] : memref<320000x64xf32, #tpu.memory_space<hbm>> -> memref<80x64xf32, #tpu.memory_space<hbm>>
      %dma_start3A_175 = arith.constant 0 : i32
      %dma_start3A_176 = tpu.memref_slice %arg6[%add3A_167, %dma_start3A_175] : memref<320000x64xf32, #tpu.memory_space<hbm>> -> memref<80x64xf32, #tpu.memory_space<hbm>>
      %dma_start3A_177 = arith.constant 0 : i32
      %dma_start3A_178 = arith.constant 0 : i32
      %dma_start3A_179 = tpu.memref_slice %arg11[%dma_start3A_168, %dma_start3A_177, %dma_start3A_178] : memref<2x80x64xf32, #tpu.memory_space<vmem>> -> memref<1x80x64xf32, #tpu.memory_space<vmem>>
      %dma_start3A_180 = tpu.memref_squeeze %dma_start3A_179 : memref<1x80x64xf32, #tpu.memory_space<vmem>> -> memref<80x64xf32, #tpu.memory_space<vmem>>
      tpu.enqueue_dma source(%dma_start3A_180 : memref<80x64xf32, #tpu.memory_space<vmem>>) target(%dma_start3A_176 : memref<80x64xf32, #tpu.memory_space<hbm>>) target_semaphore(%arg14 : memref<!tpu.dma_semaphore, #tpu.memory_space<semaphore_mem>>)
      %mul3A_181 = arith.constant 2 : i32
      %mul3A_182 = arith.muli %mul3A_181, %scan3A_124 : i32
      %add3A_183 = arith.constant 1 : i32
      %add3A_184 = arith.addi %mul3A_182, %add3A_183 : i32
      %dma_wait3A_185 = arith.constant 1 : i32
      %dma_wait3A_186 = arith.constant 0 : i32
      %dma_wait3A_187 = arith.constant 0 : i32
      %dma_wait3A_188 = tpu.memref_slice %arg9[%dma_wait3A_185, %dma_wait3A_186, %dma_wait3A_187] : memref<2x80x64xf32, #tpu.memory_space<vmem>> -> memref<1x80x64xf32, #tpu.memory_space<vmem>>
      %dma_wait3A_189 = tpu.memref_squeeze %dma_wait3A_188 : memref<1x80x64xf32, #tpu.memory_space<vmem>> -> memref<80x64xf32, #tpu.memory_space<vmem>>
      %dma_wait3A_190 = arith.constant 0 : i32
      %dma_wait3A_191 = tpu.memref_slice %arg7[%add3A_184, %dma_wait3A_190] : memref<125x80xi32, #tpu.memory_space<vmem>> -> memref<1x80xi32, #tpu.memory_space<vmem>>
      %dma_wait3A_192 = tpu.memref_squeeze %dma_wait3A_191 : memref<1x80xi32, #tpu.memory_space<vmem>> -> memref<80xi32, #tpu.memory_space<vmem>>
      %dma_wait3A_193 = arith.constant 0 : i32
      %dma_wait3A_194 = arith.constant 0 : i32
      %dma_wait3A_195 = tpu.memref_slice %arg4[%dma_wait3A_193, %dma_wait3A_194] : memref<10000x64xf32, #tpu.memory_space<hbm>> -> memref<10000x64xf32, #tpu.memory_space<hbm>>
      tpu.wait_indirect_dma semaphore(%arg13 : memref<!tpu.dma_semaphore, #tpu.memory_space<semaphore_mem>>) src(%dma_wait3A_195 : memref<10000x64xf32, #tpu.memory_space<hbm>>) dst(%dma_wait3A_189 : memref<80x64xf32, #tpu.memory_space<vmem>>)
      %dma_wait3A_196 = arith.constant 1 : i32
      %dma_wait3A_197 = arith.constant 0 : i32
      %dma_wait3A_198 = arith.constant 0 : i32
      %dma_wait3A_199 = tpu.memref_slice %arg10[%dma_wait3A_196, %dma_wait3A_197, %dma_wait3A_198] : memref<2x80x64xf32, #tpu.memory_space<vmem>> -> memref<1x80x64xf32, #tpu.memory_space<vmem>>
      %dma_wait3A_200 = tpu.memref_squeeze %dma_wait3A_199 : memref<1x80x64xf32, #tpu.memory_space<vmem>> -> memref<80x64xf32, #tpu.memory_space<vmem>>
      %dma_wait3A_201 = arith.constant 0 : i32
      %dma_wait3A_202 = tpu.memref_slice %arg8[%add3A_184, %dma_wait3A_201] : memref<125x80xi32, #tpu.memory_space<vmem>> -> memref<1x80xi32, #tpu.memory_space<vmem>>
      %dma_wait3A_203 = tpu.memref_squeeze %dma_wait3A_202 : memref<1x80xi32, #tpu.memory_space<vmem>> -> memref<80xi32, #tpu.memory_space<vmem>>
      %dma_wait3A_204 = arith.constant 0 : i32
      %dma_wait3A_205 = arith.constant 0 : i32
      %dma_wait3A_206 = tpu.memref_slice %arg5[%dma_wait3A_204, %dma_wait3A_205] : memref<10000x64xf32, #tpu.memory_space<hbm>> -> memref<10000x64xf32, #tpu.memory_space<hbm>>
      tpu.wait_indirect_dma semaphore(%arg13 : memref<!tpu.dma_semaphore, #tpu.memory_space<semaphore_mem>>) src(%dma_wait3A_206 : memref<10000x64xf32, #tpu.memory_space<hbm>>) dst(%dma_wait3A_200 : memref<80x64xf32, #tpu.memory_space<vmem>>)
      %add3A_207 = arith.constant 1 : i32
      %add3A_208 = arith.addi %add3A_184, %add3A_207 : i32
      %lt3A_209 = arith.constant 125 : i32
      %lt3A_210 = arith.cmpi slt, %add3A_208, %lt3A_209 : i32
      %convert_element_type3A_211 = arith.extui %lt3A_210 : i1 to i32
      %cond3A_212 = arith.constant 0 : i32
      %cond3A_213 = arith.cmpi ne, %convert_element_type3A_211, %cond3A_212 : i32
      scf.if %cond3A_213 {
        %add3A_243 = arith.constant 1 : i32
        %add3A_244 = arith.addi %add3A_184, %add3A_243 : i32
        %dma_start3A_245 = arith.constant 0 : i32
        %dma_start3A_246 = arith.constant 0 : i32
        %dma_start3A_247 = arith.constant 0 : i32
        %dma_start3A_248 = tpu.memref_slice %arg9[%dma_start3A_245, %dma_start3A_246, %dma_start3A_247] : memref<2x80x64xf32, #tpu.memory_space<vmem>> -> memref<1x80x64xf32, #tpu.memory_space<vmem>>
        %dma_start3A_249 = tpu.memref_squeeze %dma_start3A_248 : memref<1x80x64xf32, #tpu.memory_space<vmem>> -> memref<80x64xf32, #tpu.memory_space<vmem>>
        %dma_start3A_250 = arith.constant 0 : i32
        %dma_start3A_251 = tpu.memref_slice %arg7[%add3A_244, %dma_start3A_250] : memref<125x80xi32, #tpu.memory_space<vmem>> -> memref<1x80xi32, #tpu.memory_space<vmem>>
        %dma_start3A_252 = tpu.memref_squeeze %dma_start3A_251 : memref<1x80xi32, #tpu.memory_space<vmem>> -> memref<80xi32, #tpu.memory_space<vmem>>
        %dma_start3A_253 = arith.constant 0 : i32
        %dma_start3A_254 = arith.constant 0 : i32
        %dma_start3A_255 = tpu.memref_slice %arg4[%dma_start3A_253, %dma_start3A_254] : memref<10000x64xf32, #tpu.memory_space<hbm>> -> memref<10000x64xf32, #tpu.memory_space<hbm>>
        tpu.enqueue_indirect_dma source(%dma_start3A_255 : memref<10000x64xf32, #tpu.memory_space<hbm>>) target(%dma_start3A_249 : memref<80x64xf32, #tpu.memory_space<vmem>>) offsets(%dma_start3A_252 : memref<80xi32, #tpu.memory_space<vmem>>) semaphore(%arg12 : memref<!tpu.dma_semaphore, #tpu.memory_space<semaphore_mem>>)
        %dma_start3A_256 = arith.constant 0 : i32
        %dma_start3A_257 = arith.constant 0 : i32
        %dma_start3A_258 = arith.constant 0 : i32
        %dma_start3A_259 = tpu.memref_slice %arg10[%dma_start3A_256, %dma_start3A_257, %dma_start3A_258] : memref<2x80x64xf32, #tpu.memory_space<vmem>> -> memref<1x80x64xf32, #tpu.memory_space<vmem>>
        %dma_start3A_260 = tpu.memref_squeeze %dma_start3A_259 : memref<1x80x64xf32, #tpu.memory_space<vmem>> -> memref<80x64xf32, #tpu.memory_space<vmem>>
        %dma_start3A_261 = arith.constant 0 : i32
        %dma_start3A_262 = tpu.memref_slice %arg8[%add3A_244, %dma_start3A_261] : memref<125x80xi32, #tpu.memory_space<vmem>> -> memref<1x80xi32, #tpu.memory_space<vmem>>
        %dma_start3A_263 = tpu.memref_squeeze %dma_start3A_262 : memref<1x80xi32, #tpu.memory_space<vmem>> -> memref<80xi32, #tpu.memory_space<vmem>>
        %dma_start3A_264 = arith.constant 0 : i32
        %dma_start3A_265 = arith.constant 0 : i32
        %dma_start3A_266 = tpu.memref_slice %arg5[%dma_start3A_264, %dma_start3A_265] : memref<10000x64xf32, #tpu.memory_space<hbm>> -> memref<10000x64xf32, #tpu.memory_space<hbm>>
        tpu.enqueue_indirect_dma source(%dma_start3A_266 : memref<10000x64xf32, #tpu.memory_space<hbm>>) target(%dma_start3A_260 : memref<80x64xf32, #tpu.memory_space<vmem>>) offsets(%dma_start3A_263 : memref<80xi32, #tpu.memory_space<vmem>>) semaphore(%arg12 : memref<!tpu.dma_semaphore, #tpu.memory_space<semaphore_mem>>)
      } else {
      }
      %ge3A_214 = arith.constant 2 : i32
      %ge3A_215 = arith.cmpi sge, %add3A_184, %ge3A_214 : i32
      %convert_element_type3A_216 = arith.extui %ge3A_215 : i1 to i32
      %cond3A_217 = arith.constant 0 : i32
      %cond3A_218 = arith.cmpi ne, %convert_element_type3A_216, %cond3A_217 : i32
      scf.if %cond3A_218 {
        %sub3A = arith.constant 2 : i32
        %sub3A_243 = arith.subi %add3A_184, %sub3A : i32
        %mul3A_244 = arith.constant 80 : i32
        %mul3A_245 = arith.muli %sub3A_243, %mul3A_244 : i32
        %add3A_246 = arith.addi %mul3A_2, %mul3A_245 : i32
        %dma_wait3A_247 = arith.constant 1 : i32
        %dma_wait3A_248 = arith.constant 0 : i32
        %dma_wait3A_249 = arith.constant 0 : i32
        %dma_wait3A_250 = tpu.memref_slice %arg11[%dma_wait3A_247, %dma_wait3A_248, %dma_wait3A_249] : memref<2x80x64xf32, #tpu.memory_space<vmem>> -> memref<1x80x64xf32, #tpu.memory_space<vmem>>
        %dma_wait3A_251 = tpu.memref_squeeze %dma_wait3A_250 : memref<1x80x64xf32, #tpu.memory_space<vmem>> -> memref<80x64xf32, #tpu.memory_space<vmem>>
        %dma_wait3A_252 = arith.constant 0 : i32
        %dma_wait3A_253 = tpu.memref_slice %arg6[%add3A_246, %dma_wait3A_252] : memref<320000x64xf32, #tpu.memory_space<hbm>> -> memref<80x64xf32, #tpu.memory_space<hbm>>
        %dma_wait3A_254 = arith.constant 0 : i32
        %dma_wait3A_255 = tpu.memref_slice %arg6[%add3A_246, %dma_wait3A_254] : memref<320000x64xf32, #tpu.memory_space<hbm>> -> memref<80x64xf32, #tpu.memory_space<hbm>>
        %dma_wait3A_256 = arith.constant 0 : i32
        %dma_wait3A_257 = arith.constant 0 : i32
        %dma_wait3A_258 = tpu.memref_slice %arg11[%dma_wait3A_247, %dma_wait3A_256, %dma_wait3A_257] : memref<2x80x64xf32, #tpu.memory_space<vmem>> -> memref<1x80x64xf32, #tpu.memory_space<vmem>>
        %dma_wait3A_259 = tpu.memref_squeeze %dma_wait3A_258 : memref<1x80x64xf32, #tpu.memory_space<vmem>> -> memref<80x64xf32, #tpu.memory_space<vmem>>
        tpu.wait_dma2 semaphore(%arg15 : memref<!tpu.dma_semaphore, #tpu.memory_space<semaphore_mem>>) src(%dma_wait3A_259 : memref<80x64xf32, #tpu.memory_space<vmem>>) dst(%dma_wait3A_255 : memref<80x64xf32, #tpu.memory_space<hbm>>)
      } else {
      }
      %scan3A_219 = arith.constant 0 : i32
      %scan3A_220 = arith.constant 0 : i32
      %scan3A_221 = arith.constant 80 : i32
      %scan3A_222 = arith.addi %scan3A_220, %scan3A_221 : i32
      %scan3A_223 = arith.constant 1 : i32
      %scan3A_224 = scf.for %scan3A_243 = %scan3A_220 to %scan3A_222 step %scan3A_223 iter_args(%scan3A_244 = %scan3A_219) -> (i32)  : i32 {
        %get3A = arith.constant 1 : i32
        %get3A_245 = arith.index_cast %get3A : i32 to index
        %get3A_246 = arith.index_cast %scan3A_243 : i32 to index
        %get3A_247 = arith.constant 0 : index
        %get3A_248 = tpu.vector_load %arg9[%get3A_245, %get3A_246, %get3A_247] {strides = array<i32>} : memref<2x80x64xf32, #tpu.memory_space<vmem>>, vector<1x1x16xf32>,
        %get3A_249 = vector.shape_cast %get3A_248 : vector<1x1x16xf32> to vector<16xf32>
        %get3A_250 = arith.constant 1 : i32
        %get3A_251 = arith.index_cast %get3A_250 : i32 to index
        %get3A_252 = arith.index_cast %scan3A_243 : i32 to index
        %get3A_253 = arith.constant 0 : index
        %get3A_254 = tpu.vector_load %arg10[%get3A_251, %get3A_252, %get3A_253] {strides = array<i32>} : memref<2x80x64xf32, #tpu.memory_space<vmem>>, vector<1x1x16xf32>,
        %get3A_255 = vector.shape_cast %get3A_254 : vector<1x1x16xf32> to vector<16xf32>
        %add3A_256 = arith.addf %get3A_249, %get3A_255 : vector<16xf32>
        %swap3A = arith.constant 1 : i32
        %swap3A_257 = arith.index_cast %swap3A : i32 to index
        %swap3A_258 = arith.index_cast %scan3A_243 : i32 to index
        %swap3A_259 = arith.constant 0 : index
        %swap3A_260 = tpu.vector_load %arg11[%swap3A_257, %swap3A_258, %swap3A_259] {strides = array<i32>} : memref<2x80x64xf32, #tpu.memory_space<vmem>>, vector<1x1x16xf32>,
        %swap3A_261 = vector.shape_cast %swap3A_260 : vector<1x1x16xf32> to vector<16xf32>
        %swap3A_262 = vector.shape_cast %add3A_256 : vector<16xf32> to vector<1x1x16xf32>
        tpu.vector_store %arg11[%swap3A_257, %swap3A_258, %swap3A_259], %swap3A_262 {strides = array<i32>} : memref<2x80x64xf32, #tpu.memory_space<vmem>>, vector<1x1x16xf32>,
        %get3A_263 = arith.constant 1 : i32
        %get3A_264 = arith.index_cast %get3A_263 : i32 to index
        %get3A_265 = arith.index_cast %scan3A_243 : i32 to index
        %get3A_266 = arith.constant 16 : index
        %get3A_267 = tpu.vector_load %arg9[%get3A_264, %get3A_265, %get3A_266] {strides = array<i32>} : memref<2x80x64xf32, #tpu.memory_space<vmem>>, vector<1x1x16xf32>,
        %get3A_268 = vector.shape_cast %get3A_267 : vector<1x1x16xf32> to vector<16xf32>
        %get3A_269 = arith.constant 1 : i32
        %get3A_270 = arith.index_cast %get3A_269 : i32 to index
        %get3A_271 = arith.index_cast %scan3A_243 : i32 to index
        %get3A_272 = arith.constant 16 : index
        %get3A_273 = tpu.vector_load %arg10[%get3A_270, %get3A_271, %get3A_272] {strides = array<i32>} : memref<2x80x64xf32, #tpu.memory_space<vmem>>, vector<1x1x16xf32>,
        %get3A_274 = vector.shape_cast %get3A_273 : vector<1x1x16xf32> to vector<16xf32>
        %add3A_275 = arith.addf %get3A_268, %get3A_274 : vector<16xf32>
        %swap3A_276 = arith.constant 1 : i32
        %swap3A_277 = arith.index_cast %swap3A_276 : i32 to index
        %swap3A_278 = arith.index_cast %scan3A_243 : i32 to index
        %swap3A_279 = arith.constant 16 : index
        %swap3A_280 = tpu.vector_load %arg11[%swap3A_277, %swap3A_278, %swap3A_279] {strides = array<i32>} : memref<2x80x64xf32, #tpu.memory_space<vmem>>, vector<1x1x16xf32>,
        %swap3A_281 = vector.shape_cast %swap3A_280 : vector<1x1x16xf32> to vector<16xf32>
        %swap3A_282 = vector.shape_cast %add3A_275 : vector<16xf32> to vector<1x1x16xf32>
        tpu.vector_store %arg11[%swap3A_277, %swap3A_278, %swap3A_279], %swap3A_282 {strides = array<i32>} : memref<2x80x64xf32, #tpu.memory_space<vmem>>, vector<1x1x16xf32>,
        %get3A_283 = arith.constant 1 : i32
        %get3A_284 = arith.index_cast %get3A_283 : i32 to index
        %get3A_285 = arith.index_cast %scan3A_243 : i32 to index
        %get3A_286 = arith.constant 32 : index
        %get3A_287 = tpu.vector_load %arg9[%get3A_284, %get3A_285, %get3A_286] {strides = array<i32>} : memref<2x80x64xf32, #tpu.memory_space<vmem>>, vector<1x1x16xf32>,
        %get3A_288 = vector.shape_cast %get3A_287 : vector<1x1x16xf32> to vector<16xf32>
        %get3A_289 = arith.constant 1 : i32
        %get3A_290 = arith.index_cast %get3A_289 : i32 to index
        %get3A_291 = arith.index_cast %scan3A_243 : i32 to index
        %get3A_292 = arith.constant 32 : index
        %get3A_293 = tpu.vector_load %arg10[%get3A_290, %get3A_291, %get3A_292] {strides = array<i32>} : memref<2x80x64xf32, #tpu.memory_space<vmem>>, vector<1x1x16xf32>,
        %get3A_294 = vector.shape_cast %get3A_293 : vector<1x1x16xf32> to vector<16xf32>
        %add3A_295 = arith.addf %get3A_288, %get3A_294 : vector<16xf32>
        %swap3A_296 = arith.constant 1 : i32
        %swap3A_297 = arith.index_cast %swap3A_296 : i32 to index
        %swap3A_298 = arith.index_cast %scan3A_243 : i32 to index
        %swap3A_299 = arith.constant 32 : index
        %swap3A_300 = tpu.vector_load %arg11[%swap3A_297, %swap3A_298, %swap3A_299] {strides = array<i32>} : memref<2x80x64xf32, #tpu.memory_space<vmem>>, vector<1x1x16xf32>,
        %swap3A_301 = vector.shape_cast %swap3A_300 : vector<1x1x16xf32> to vector<16xf32>
        %swap3A_302 = vector.shape_cast %add3A_295 : vector<16xf32> to vector<1x1x16xf32>
        tpu.vector_store %arg11[%swap3A_297, %swap3A_298, %swap3A_299], %swap3A_302 {strides = array<i32>} : memref<2x80x64xf32, #tpu.memory_space<vmem>>, vector<1x1x16xf32>,
        %get3A_303 = arith.constant 1 : i32
        %get3A_304 = arith.index_cast %get3A_303 : i32 to index
        %get3A_305 = arith.index_cast %scan3A_243 : i32 to index
        %get3A_306 = arith.constant 48 : index
        %get3A_307 = tpu.vector_load %arg9[%get3A_304, %get3A_305, %get3A_306] {strides = array<i32>} : memref<2x80x64xf32, #tpu.memory_space<vmem>>, vector<1x1x16xf32>,
        %get3A_308 = vector.shape_cast %get3A_307 : vector<1x1x16xf32> to vector<16xf32>
        %get3A_309 = arith.constant 1 : i32
        %get3A_310 = arith.index_cast %get3A_309 : i32 to index
        %get3A_311 = arith.index_cast %scan3A_243 : i32 to index
        %get3A_312 = arith.constant 48 : index
        %get3A_313 = tpu.vector_load %arg10[%get3A_310, %get3A_311, %get3A_312] {strides = array<i32>} : memref<2x80x64xf32, #tpu.memory_space<vmem>>, vector<1x1x16xf32>,
        %get3A_314 = vector.shape_cast %get3A_313 : vector<1x1x16xf32> to vector<16xf32>
        %add3A_315 = arith.addf %get3A_308, %get3A_314 : vector<16xf32>
        %swap3A_316 = arith.constant 1 : i32
        %swap3A_317 = arith.index_cast %swap3A_316 : i32 to index
        %swap3A_318 = arith.index_cast %scan3A_243 : i32 to index
        %swap3A_319 = arith.constant 48 : index
        %swap3A_320 = tpu.vector_load %arg11[%swap3A_317, %swap3A_318, %swap3A_319] {strides = array<i32>} : memref<2x80x64xf32, #tpu.memory_space<vmem>>, vector<1x1x16xf32>,
        %swap3A_321 = vector.shape_cast %swap3A_320 : vector<1x1x16xf32> to vector<16xf32>
        %swap3A_322 = vector.shape_cast %add3A_315 : vector<16xf32> to vector<1x1x16xf32>
        tpu.vector_store %arg11[%swap3A_317, %swap3A_318, %swap3A_319], %swap3A_322 {strides = array<i32>} : memref<2x80x64xf32, #tpu.memory_space<vmem>>, vector<1x1x16xf32>,
        %scan3A_323 = arith.constant 0 : i32
        scf.yield %scan3A_323 : i32
      }
      %scan3A_225 = arith.constant 80 : i32
      %mul3A_226 = arith.constant 80 : i32
      %mul3A_227 = arith.muli %add3A_184, %mul3A_226 : i32
      %add3A_228 = arith.addi %mul3A_2, %mul3A_227 : i32
      %dma_start3A_229 = arith.constant 1 : i32
      %dma_start3A_230 = arith.constant 0 : i32
      %dma_start3A_231 = arith.constant 0 : i32
      %dma_start3A_232 = tpu.memref_slice %arg11[%dma_start3A_229, %dma_start3A_230, %dma_start3A_231] : memref<2x80x64xf32, #tpu.memory_space<vmem>> -> memref<1x80x64xf32, #tpu.memory_space<vmem>>
      %dma_start3A_233 = tpu.memref_squeeze %dma_start3A_232 : memref<1x80x64xf32, #tpu.memory_space<vmem>> -> memref<80x64xf32, #tpu.memory_space<vmem>>
      %dma_start3A_234 = arith.constant 0 : i32
      %dma_start3A_235 = tpu.memref_slice %arg6[%add3A_228, %dma_start3A_234] : memref<320000x64xf32, #tpu.memory_space<hbm>> -> memref<80x64xf32, #tpu.memory_space<hbm>>
      %dma_start3A_236 = arith.constant 0 : i32
      %dma_start3A_237 = tpu.memref_slice %arg6[%add3A_228, %dma_start3A_236] : memref<320000x64xf32, #tpu.memory_space<hbm>> -> memref<80x64xf32, #tpu.memory_space<hbm>>
      %dma_start3A_238 = arith.constant 0 : i32
      %dma_start3A_239 = arith.constant 0 : i32
      %dma_start3A_240 = tpu.memref_slice %arg11[%dma_start3A_229, %dma_start3A_238, %dma_start3A_239] : memref<2x80x64xf32, #tpu.memory_space<vmem>> -> memref<1x80x64xf32, #tpu.memory_space<vmem>>
      %dma_start3A_241 = tpu.memref_squeeze %dma_start3A_240 : memref<1x80x64xf32, #tpu.memory_space<vmem>> -> memref<80x64xf32, #tpu.memory_space<vmem>>
      tpu.enqueue_dma source(%dma_start3A_241 : memref<80x64xf32, #tpu.memory_space<vmem>>) target(%dma_start3A_237 : memref<80x64xf32, #tpu.memory_space<hbm>>) target_semaphore(%arg15 : memref<!tpu.dma_semaphore, #tpu.memory_space<semaphore_mem>>)
      %scan3A_242 = arith.constant 0 : i32
      scf.yield %scan3A_242 : i32
    }
    %scan3A_33 = arith.constant 62 : i32
    %dma_wait3A = arith.constant 124 : i32
    %dma_wait3A_34 = arith.constant 0 : i32
    %dma_wait3A_35 = arith.constant 0 : i32
    %dma_wait3A_36 = arith.constant 0 : i32
    %dma_wait3A_37 = tpu.memref_slice %arg9[%dma_wait3A_34, %dma_wait3A_35, %dma_wait3A_36] : memref<2x80x64xf32, #tpu.memory_space<vmem>> -> memref<1x80x64xf32, #tpu.memory_space<vmem>>
    %dma_wait3A_38 = tpu.memref_squeeze %dma_wait3A_37 : memref<1x80x64xf32, #tpu.memory_space<vmem>> -> memref<80x64xf32, #tpu.memory_space<vmem>>
    %dma_wait3A_39 = arith.constant 0 : i32
    %dma_wait3A_40 = tpu.memref_slice %arg7[%dma_wait3A, %dma_wait3A_39] : memref<125x80xi32, #tpu.memory_space<vmem>> -> memref<1x80xi32, #tpu.memory_space<vmem>>
    %dma_wait3A_41 = tpu.memref_squeeze %dma_wait3A_40 : memref<1x80xi32, #tpu.memory_space<vmem>> -> memref<80xi32, #tpu.memory_space<vmem>>
    %dma_wait3A_42 = arith.constant 0 : i32
    %dma_wait3A_43 = arith.constant 0 : i32
    %dma_wait3A_44 = tpu.memref_slice %arg4[%dma_wait3A_42, %dma_wait3A_43] : memref<10000x64xf32, #tpu.memory_space<hbm>> -> memref<10000x64xf32, #tpu.memory_space<hbm>>
    tpu.wait_indirect_dma semaphore(%arg12 : memref<!tpu.dma_semaphore, #tpu.memory_space<semaphore_mem>>) src(%dma_wait3A_44 : memref<10000x64xf32, #tpu.memory_space<hbm>>) dst(%dma_wait3A_38 : memref<80x64xf32, #tpu.memory_space<vmem>>)
    %dma_wait3A_45 = arith.constant 124 : i32
    %dma_wait3A_46 = arith.constant 0 : i32
    %dma_wait3A_47 = arith.constant 0 : i32
    %dma_wait3A_48 = arith.constant 0 : i32
    %dma_wait3A_49 = tpu.memref_slice %arg10[%dma_wait3A_46, %dma_wait3A_47, %dma_wait3A_48] : memref<2x80x64xf32, #tpu.memory_space<vmem>> -> memref<1x80x64xf32, #tpu.memory_space<vmem>>
    %dma_wait3A_50 = tpu.memref_squeeze %dma_wait3A_49 : memref<1x80x64xf32, #tpu.memory_space<vmem>> -> memref<80x64xf32, #tpu.memory_space<vmem>>
    %dma_wait3A_51 = arith.constant 0 : i32
    %dma_wait3A_52 = tpu.memref_slice %arg8[%dma_wait3A_45, %dma_wait3A_51] : memref<125x80xi32, #tpu.memory_space<vmem>> -> memref<1x80xi32, #tpu.memory_space<vmem>>
    %dma_wait3A_53 = tpu.memref_squeeze %dma_wait3A_52 : memref<1x80xi32, #tpu.memory_space<vmem>> -> memref<80xi32, #tpu.memory_space<vmem>>
    %dma_wait3A_54 = arith.constant 0 : i32
    %dma_wait3A_55 = arith.constant 0 : i32
    %dma_wait3A_56 = tpu.memref_slice %arg5[%dma_wait3A_54, %dma_wait3A_55] : memref<10000x64xf32, #tpu.memory_space<hbm>> -> memref<10000x64xf32, #tpu.memory_space<hbm>>
    tpu.wait_indirect_dma semaphore(%arg12 : memref<!tpu.dma_semaphore, #tpu.memory_space<semaphore_mem>>) src(%dma_wait3A_56 : memref<10000x64xf32, #tpu.memory_space<hbm>>) dst(%dma_wait3A_50 : memref<80x64xf32, #tpu.memory_space<vmem>>)
    %add3A_57 = arith.constant 9760 : i32
    %add3A_58 = arith.addi %mul3A_2, %add3A_57 : i32
    %dma_wait3A_59 = arith.constant 0 : i32
    %dma_wait3A_60 = arith.constant 0 : i32
    %dma_wait3A_61 = arith.constant 0 : i32
    %dma_wait3A_62 = tpu.memref_slice %arg11[%dma_wait3A_59, %dma_wait3A_60, %dma_wait3A_61] : memref<2x80x64xf32, #tpu.memory_space<vmem>> -> memref<1x80x64xf32, #tpu.memory_space<vmem>>
    %dma_wait3A_63 = tpu.memref_squeeze %dma_wait3A_62 : memref<1x80x64xf32, #tpu.memory_space<vmem>> -> memref<80x64xf32, #tpu.memory_space<vmem>>
    %dma_wait3A_64 = arith.constant 0 : i32
    %dma_wait3A_65 = tpu.memref_slice %arg6[%add3A_58, %dma_wait3A_64] : memref<320000x64xf32, #tpu.memory_space<hbm>> -> memref<80x64xf32, #tpu.memory_space<hbm>>
    %dma_wait3A_66 = arith.constant 0 : i32
    %dma_wait3A_67 = tpu.memref_slice %arg6[%add3A_58, %dma_wait3A_66] : memref<320000x64xf32, #tpu.memory_space<hbm>> -> memref<80x64xf32, #tpu.memory_space<hbm>>
    %dma_wait3A_68 = arith.constant 0 : i32
    %dma_wait3A_69 = arith.constant 0 : i32
    %dma_wait3A_70 = tpu.memref_slice %arg11[%dma_wait3A_59, %dma_wait3A_68, %dma_wait3A_69] : memref<2x80x64xf32, #tpu.memory_space<vmem>> -> memref<1x80x64xf32, #tpu.memory_space<vmem>>
    %dma_wait3A_71 = tpu.memref_squeeze %dma_wait3A_70 : memref<1x80x64xf32, #tpu.memory_space<vmem>> -> memref<80x64xf32, #tpu.memory_space<vmem>>
    tpu.wait_dma2 semaphore(%arg14 : memref<!tpu.dma_semaphore, #tpu.memory_space<semaphore_mem>>) src(%dma_wait3A_71 : memref<80x64xf32, #tpu.memory_space<vmem>>) dst(%dma_wait3A_67 : memref<80x64xf32, #tpu.memory_space<hbm>>)
    %scan3A_72 = arith.constant 0 : i32
    %scan3A_73 = arith.constant 0 : i32
    %scan3A_74 = arith.constant 80 : i32
    %scan3A_75 = arith.addi %scan3A_73, %scan3A_74 : i32
    %scan3A_76 = arith.constant 1 : i32
    %scan3A_77 = scf.for %scan3A_124 = %scan3A_73 to %scan3A_75 step %scan3A_76 iter_args(%scan3A_125 = %scan3A_72) -> (i32)  : i32 {
      %get3A = arith.constant 0 : i32
      %get3A_126 = arith.index_cast %get3A : i32 to index
      %get3A_127 = arith.index_cast %scan3A_124 : i32 to index
      %get3A_128 = arith.constant 0 : index
      %get3A_129 = tpu.vector_load %arg9[%get3A_126, %get3A_127, %get3A_128] {strides = array<i32>} : memref<2x80x64xf32, #tpu.memory_space<vmem>>, vector<1x1x16xf32>,
      %get3A_130 = vector.shape_cast %get3A_129 : vector<1x1x16xf32> to vector<16xf32>
      %get3A_131 = arith.constant 0 : i32
      %get3A_132 = arith.index_cast %get3A_131 : i32 to index
      %get3A_133 = arith.index_cast %scan3A_124 : i32 to index
      %get3A_134 = arith.constant 0 : index
      %get3A_135 = tpu.vector_load %arg10[%get3A_132, %get3A_133, %get3A_134] {strides = array<i32>} : memref<2x80x64xf32, #tpu.memory_space<vmem>>, vector<1x1x16xf32>,
      %get3A_136 = vector.shape_cast %get3A_135 : vector<1x1x16xf32> to vector<16xf32>
      %add3A_137 = arith.addf %get3A_130, %get3A_136 : vector<16xf32>
      %swap3A = arith.constant 0 : i32
      %swap3A_138 = arith.index_cast %swap3A : i32 to index
      %swap3A_139 = arith.index_cast %scan3A_124 : i32 to index
      %swap3A_140 = arith.constant 0 : index
      %swap3A_141 = tpu.vector_load %arg11[%swap3A_138, %swap3A_139, %swap3A_140] {strides = array<i32>} : memref<2x80x64xf32, #tpu.memory_space<vmem>>, vector<1x1x16xf32>,
      %swap3A_142 = vector.shape_cast %swap3A_141 : vector<1x1x16xf32> to vector<16xf32>
      %swap3A_143 = vector.shape_cast %add3A_137 : vector<16xf32> to vector<1x1x16xf32>
      tpu.vector_store %arg11[%swap3A_138, %swap3A_139, %swap3A_140], %swap3A_143 {strides = array<i32>} : memref<2x80x64xf32, #tpu.memory_space<vmem>>, vector<1x1x16xf32>,
      %get3A_144 = arith.constant 0 : i32
      %get3A_145 = arith.index_cast %get3A_144 : i32 to index
      %get3A_146 = arith.index_cast %scan3A_124 : i32 to index
      %get3A_147 = arith.constant 16 : index
      %get3A_148 = tpu.vector_load %arg9[%get3A_145, %get3A_146, %get3A_147] {strides = array<i32>} : memref<2x80x64xf32, #tpu.memory_space<vmem>>, vector<1x1x16xf32>,
      %get3A_149 = vector.shape_cast %get3A_148 : vector<1x1x16xf32> to vector<16xf32>
      %get3A_150 = arith.constant 0 : i32
      %get3A_151 = arith.index_cast %get3A_150 : i32 to index
      %get3A_152 = arith.index_cast %scan3A_124 : i32 to index
      %get3A_153 = arith.constant 16 : index
      %get3A_154 = tpu.vector_load %arg10[%get3A_151, %get3A_152, %get3A_153] {strides = array<i32>} : memref<2x80x64xf32, #tpu.memory_space<vmem>>, vector<1x1x16xf32>,
      %get3A_155 = vector.shape_cast %get3A_154 : vector<1x1x16xf32> to vector<16xf32>
      %add3A_156 = arith.addf %get3A_149, %get3A_155 : vector<16xf32>
      %swap3A_157 = arith.constant 0 : i32
      %swap3A_158 = arith.index_cast %swap3A_157 : i32 to index
      %swap3A_159 = arith.index_cast %scan3A_124 : i32 to index
      %swap3A_160 = arith.constant 16 : index
      %swap3A_161 = tpu.vector_load %arg11[%swap3A_158, %swap3A_159, %swap3A_160] {strides = array<i32>} : memref<2x80x64xf32, #tpu.memory_space<vmem>>, vector<1x1x16xf32>,
      %swap3A_162 = vector.shape_cast %swap3A_161 : vector<1x1x16xf32> to vector<16xf32>
      %swap3A_163 = vector.shape_cast %add3A_156 : vector<16xf32> to vector<1x1x16xf32>
      tpu.vector_store %arg11[%swap3A_158, %swap3A_159, %swap3A_160], %swap3A_163 {strides = array<i32>} : memref<2x80x64xf32, #tpu.memory_space<vmem>>, vector<1x1x16xf32>,
      %get3A_164 = arith.constant 0 : i32
      %get3A_165 = arith.index_cast %get3A_164 : i32 to index
      %get3A_166 = arith.index_cast %scan3A_124 : i32 to index
      %get3A_167 = arith.constant 32 : index
      %get3A_168 = tpu.vector_load %arg9[%get3A_165, %get3A_166, %get3A_167] {strides = array<i32>} : memref<2x80x64xf32, #tpu.memory_space<vmem>>, vector<1x1x16xf32>,
      %get3A_169 = vector.shape_cast %get3A_168 : vector<1x1x16xf32> to vector<16xf32>
      %get3A_170 = arith.constant 0 : i32
      %get3A_171 = arith.index_cast %get3A_170 : i32 to index
      %get3A_172 = arith.index_cast %scan3A_124 : i32 to index
      %get3A_173 = arith.constant 32 : index
      %get3A_174 = tpu.vector_load %arg10[%get3A_171, %get3A_172, %get3A_173] {strides = array<i32>} : memref<2x80x64xf32, #tpu.memory_space<vmem>>, vector<1x1x16xf32>,
      %get3A_175 = vector.shape_cast %get3A_174 : vector<1x1x16xf32> to vector<16xf32>
      %add3A_176 = arith.addf %get3A_169, %get3A_175 : vector<16xf32>
      %swap3A_177 = arith.constant 0 : i32
      %swap3A_178 = arith.index_cast %swap3A_177 : i32 to index
      %swap3A_179 = arith.index_cast %scan3A_124 : i32 to index
      %swap3A_180 = arith.constant 32 : index
      %swap3A_181 = tpu.vector_load %arg11[%swap3A_178, %swap3A_179, %swap3A_180] {strides = array<i32>} : memref<2x80x64xf32, #tpu.memory_space<vmem>>, vector<1x1x16xf32>,
      %swap3A_182 = vector.shape_cast %swap3A_181 : vector<1x1x16xf32> to vector<16xf32>
      %swap3A_183 = vector.shape_cast %add3A_176 : vector<16xf32> to vector<1x1x16xf32>
      tpu.vector_store %arg11[%swap3A_178, %swap3A_179, %swap3A_180], %swap3A_183 {strides = array<i32>} : memref<2x80x64xf32, #tpu.memory_space<vmem>>, vector<1x1x16xf32>,
      %get3A_184 = arith.constant 0 : i32
      %get3A_185 = arith.index_cast %get3A_184 : i32 to index
      %get3A_186 = arith.index_cast %scan3A_124 : i32 to index
      %get3A_187 = arith.constant 48 : index
      %get3A_188 = tpu.vector_load %arg9[%get3A_185, %get3A_186, %get3A_187] {strides = array<i32>} : memref<2x80x64xf32, #tpu.memory_space<vmem>>, vector<1x1x16xf32>,
      %get3A_189 = vector.shape_cast %get3A_188 : vector<1x1x16xf32> to vector<16xf32>
      %get3A_190 = arith.constant 0 : i32
      %get3A_191 = arith.index_cast %get3A_190 : i32 to index
      %get3A_192 = arith.index_cast %scan3A_124 : i32 to index
      %get3A_193 = arith.constant 48 : index
      %get3A_194 = tpu.vector_load %arg10[%get3A_191, %get3A_192, %get3A_193] {strides = array<i32>} : memref<2x80x64xf32, #tpu.memory_space<vmem>>, vector<1x1x16xf32>,
      %get3A_195 = vector.shape_cast %get3A_194 : vector<1x1x16xf32> to vector<16xf32>
      %add3A_196 = arith.addf %get3A_189, %get3A_195 : vector<16xf32>
      %swap3A_197 = arith.constant 0 : i32
      %swap3A_198 = arith.index_cast %swap3A_197 : i32 to index
      %swap3A_199 = arith.index_cast %scan3A_124 : i32 to index
      %swap3A_200 = arith.constant 48 : index
      %swap3A_201 = tpu.vector_load %arg11[%swap3A_198, %swap3A_199, %swap3A_200] {strides = array<i32>} : memref<2x80x64xf32, #tpu.memory_space<vmem>>, vector<1x1x16xf32>,
      %swap3A_202 = vector.shape_cast %swap3A_201 : vector<1x1x16xf32> to vector<16xf32>
      %swap3A_203 = vector.shape_cast %add3A_196 : vector<16xf32> to vector<1x1x16xf32>
      tpu.vector_store %arg11[%swap3A_198, %swap3A_199, %swap3A_200], %swap3A_203 {strides = array<i32>} : memref<2x80x64xf32, #tpu.memory_space<vmem>>, vector<1x1x16xf32>,
      %scan3A_204 = arith.constant 0 : i32
      scf.yield %scan3A_204 : i32
    }
    %scan3A_78 = arith.constant 80 : i32
    %add3A_79 = arith.constant 9920 : i32
    %add3A_80 = arith.addi %mul3A_2, %add3A_79 : i32
    %dma_start3A_81 = arith.constant 0 : i32
    %dma_start3A_82 = arith.constant 0 : i32
    %dma_start3A_83 = arith.constant 0 : i32
    %dma_start3A_84 = tpu.memref_slice %arg11[%dma_start3A_81, %dma_start3A_82, %dma_start3A_83] : memref<2x80x64xf32, #tpu.memory_space<vmem>> -> memref<1x80x64xf32, #tpu.memory_space<vmem>>
    %dma_start3A_85 = tpu.memref_squeeze %dma_start3A_84 : memref<1x80x64xf32, #tpu.memory_space<vmem>> -> memref<80x64xf32, #tpu.memory_space<vmem>>
    %dma_start3A_86 = arith.constant 0 : i32
    %dma_start3A_87 = tpu.memref_slice %arg6[%add3A_80, %dma_start3A_86] : memref<320000x64xf32, #tpu.memory_space<hbm>> -> memref<80x64xf32, #tpu.memory_space<hbm>>
    %dma_start3A_88 = arith.constant 0 : i32
    %dma_start3A_89 = tpu.memref_slice %arg6[%add3A_80, %dma_start3A_88] : memref<320000x64xf32, #tpu.memory_space<hbm>> -> memref<80x64xf32, #tpu.memory_space<hbm>>
    %dma_start3A_90 = arith.constant 0 : i32
    %dma_start3A_91 = arith.constant 0 : i32
    %dma_start3A_92 = tpu.memref_slice %arg11[%dma_start3A_81, %dma_start3A_90, %dma_start3A_91] : memref<2x80x64xf32, #tpu.memory_space<vmem>> -> memref<1x80x64xf32, #tpu.memory_space<vmem>>
    %dma_start3A_93 = tpu.memref_squeeze %dma_start3A_92 : memref<1x80x64xf32, #tpu.memory_space<vmem>> -> memref<80x64xf32, #tpu.memory_space<vmem>>
    tpu.enqueue_dma source(%dma_start3A_93 : memref<80x64xf32, #tpu.memory_space<vmem>>) target(%dma_start3A_89 : memref<80x64xf32, #tpu.memory_space<hbm>>) target_semaphore(%arg14 : memref<!tpu.dma_semaphore, #tpu.memory_space<semaphore_mem>>)
    %add3A_94 = arith.constant 9920 : i32
    %add3A_95 = arith.addi %mul3A_2, %add3A_94 : i32
    %dma_wait3A_96 = arith.constant 0 : i32
    %dma_wait3A_97 = arith.constant 0 : i32
    %dma_wait3A_98 = arith.constant 0 : i32
    %dma_wait3A_99 = tpu.memref_slice %arg11[%dma_wait3A_96, %dma_wait3A_97, %dma_wait3A_98] : memref<2x80x64xf32, #tpu.memory_space<vmem>> -> memref<1x80x64xf32, #tpu.memory_space<vmem>>
    %dma_wait3A_100 = tpu.memref_squeeze %dma_wait3A_99 : memref<1x80x64xf32, #tpu.memory_space<vmem>> -> memref<80x64xf32, #tpu.memory_space<vmem>>
    %dma_wait3A_101 = arith.constant 0 : i32
    %dma_wait3A_102 = tpu.memref_slice %arg6[%add3A_95, %dma_wait3A_101] : memref<320000x64xf32, #tpu.memory_space<hbm>> -> memref<80x64xf32, #tpu.memory_space<hbm>>
    %dma_wait3A_103 = arith.constant 0 : i32
    %dma_wait3A_104 = tpu.memref_slice %arg6[%add3A_95, %dma_wait3A_103] : memref<320000x64xf32, #tpu.memory_space<hbm>> -> memref<80x64xf32, #tpu.memory_space<hbm>>
    %dma_wait3A_105 = arith.constant 0 : i32
    %dma_wait3A_106 = arith.constant 0 : i32
    %dma_wait3A_107 = tpu.memref_slice %arg11[%dma_wait3A_96, %dma_wait3A_105, %dma_wait3A_106] : memref<2x80x64xf32, #tpu.memory_space<vmem>> -> memref<1x80x64xf32, #tpu.memory_space<vmem>>
    %dma_wait3A_108 = tpu.memref_squeeze %dma_wait3A_107 : memref<1x80x64xf32, #tpu.memory_space<vmem>> -> memref<80x64xf32, #tpu.memory_space<vmem>>
    tpu.wait_dma2 semaphore(%arg14 : memref<!tpu.dma_semaphore, #tpu.memory_space<semaphore_mem>>) src(%dma_wait3A_108 : memref<80x64xf32, #tpu.memory_space<vmem>>) dst(%dma_wait3A_104 : memref<80x64xf32, #tpu.memory_space<hbm>>)
    %add3A_109 = arith.constant 9840 : i32
    %add3A_110 = arith.addi %mul3A_2, %add3A_109 : i32
    %dma_wait3A_111 = arith.constant 1 : i32
    %dma_wait3A_112 = arith.constant 0 : i32
    %dma_wait3A_113 = arith.constant 0 : i32
    %dma_wait3A_114 = tpu.memref_slice %arg11[%dma_wait3A_111, %dma_wait3A_112, %dma_wait3A_113] : memref<2x80x64xf32, #tpu.memory_space<vmem>> -> memref<1x80x64xf32, #tpu.memory_space<vmem>>
    %dma_wait3A_115 = tpu.memref_squeeze %dma_wait3A_114 : memref<1x80x64xf32, #tpu.memory_space<vmem>> -> memref<80x64xf32, #tpu.memory_space<vmem>>
    %dma_wait3A_116 = arith.constant 0 : i32
    %dma_wait3A_117 = tpu.memref_slice %arg6[%add3A_110, %dma_wait3A_116] : memref<320000x64xf32, #tpu.memory_space<hbm>> -> memref<80x64xf32, #tpu.memory_space<hbm>>
    %dma_wait3A_118 = arith.constant 0 : i32
    %dma_wait3A_119 = tpu.memref_slice %arg6[%add3A_110, %dma_wait3A_118] : memref<320000x64xf32, #tpu.memory_space<hbm>> -> memref<80x64xf32, #tpu.memory_space<hbm>>
    %dma_wait3A_120 = arith.constant 0 : i32
    %dma_wait3A_121 = arith.constant 0 : i32
    %dma_wait3A_122 = tpu.memref_slice %arg11[%dma_wait3A_111, %dma_wait3A_120, %dma_wait3A_121] : memref<2x80x64xf32, #tpu.memory_space<vmem>> -> memref<1x80x64xf32, #tpu.memory_space<vmem>>
    %dma_wait3A_123 = tpu.memref_squeeze %dma_wait3A_122 : memref<1x80x64xf32, #tpu.memory_space<vmem>> -> memref<80x64xf32, #tpu.memory_space<vmem>>
    tpu.wait_dma2 semaphore(%arg15 : memref<!tpu.dma_semaphore, #tpu.memory_space<semaphore_mem>>) src(%dma_wait3A_123 : memref<80x64xf32, #tpu.memory_space<vmem>>) dst(%dma_wait3A_119 : memref<80x64xf32, #tpu.memory_space<hbm>>)
    return
  }
}

#map = affine_map<(d0, d1) -> (0, 0)>
#map1 = affine_map<(d0, d1) -> (0, 0, 0)>
module attributes {stable_mosaic.version = 14 : i64} {
  func.func @body(%arg0: i32, %arg1: i32, %arg2: memref<4000x80xi32, #tpu.memory_space<hbm>>, %arg3: memref<320000x64xf32, #tpu.memory_space<hbm>>, %arg4: memref<10000x64xf32, #tpu.memory_space<hbm>>, %arg5: memref<2x10000x64xf32, #tpu.memory_space<hbm>>, %arg6: memref<10000x64xf32, #tpu.memory_space<vmem_shared>>, %arg7: memref<125x80xi32, #tpu.memory_space<vmem>>, %arg8: memref<2x80x64xf32, #tpu.memory_space<vmem>>, %arg9: memref<!tpu.dma_semaphore, #tpu.memory_space<semaphore_mem>>, %arg10: memref<!tpu.dma_semaphore, #tpu.memory_space<semaphore_mem>>, %arg11: memref<!tpu.dma_semaphore, #tpu.memory_space<semaphore_mem>>, %arg12: memref<!tpu.dma_semaphore, #tpu.memory_space<semaphore_mem>>) attributes {dimension_semantics = [#tpu.dimension_semantics<core_parallel>, #tpu.dimension_semantics<subcore_parallel>], iteration_bounds = array<i64: 2, 16>, scalar_prefetch = 0 : i64, scratch_operands = 7 : i64, tpu.core_type = #tpu.core_type<sc_vector_subcore>, window_params = [{transform_indices = #map}, {transform_indices = #map}, {transform_indices = #map}, {transform_indices = #map1}]} {
    %mul3A = arith.constant 2 : i32
    %mul3A_0 = arith.muli %arg1, %mul3A : i32
    %add3A = arith.addi %mul3A_0, %arg0 : i32
    %mul3A_1 = arith.constant 10000 : i32
    %mul3A_2 = arith.muli %add3A, %mul3A_1 : i32
    %mul3A_3 = arith.constant 125 : i32
    %mul3A_4 = arith.muli %add3A, %mul3A_3 : i32
    %mul3A_5 = arith.constant 625 : i32
    %mul3A_6 = arith.muli %arg1, %mul3A_5 : i32
    %mul3A_7 = arith.constant 625 : i32
    %mul3A_8 = arith.muli %arg1, %mul3A_7 : i32
    %dma_start3A = arith.constant 0 : i32
    %dma_start3A_9 = tpu.memref_slice %arg6[%mul3A_8, %dma_start3A] : memref<10000x64xf32, #tpu.memory_space<vmem_shared>> -> memref<625x64xf32, #tpu.memory_space<vmem_shared>>
    %dma_start3A_10 = arith.constant 0 : i32
    %dma_start3A_11 = tpu.memref_slice %arg4[%mul3A_6, %dma_start3A_10] : memref<10000x64xf32, #tpu.memory_space<hbm>> -> memref<625x64xf32, #tpu.memory_space<hbm>>
    tpu.enqueue_dma source(%dma_start3A_11 : memref<625x64xf32, #tpu.memory_space<hbm>>) target(%dma_start3A_9 : memref<625x64xf32, #tpu.memory_space<vmem_shared>>) target_semaphore(%arg11 : memref<!tpu.dma_semaphore, #tpu.memory_space<semaphore_mem>>)
    "tpu.region"() ({
      %run_scoped3A = tpu.sem_alloc : memref<!tpu.dma_semaphore, #tpu.memory_space<semaphore_mem>>
      %dma_start3A_96 = arith.constant 0 : i32
      %dma_start3A_97 = tpu.memref_slice %arg2[%mul3A_4, %dma_start3A_96] : memref<4000x80xi32, #tpu.memory_space<hbm>> -> memref<125x80xi32, #tpu.memory_space<hbm>>
      %dma_start3A_98 = arith.constant 0 : i32
      %dma_start3A_99 = tpu.memref_slice %arg2[%mul3A_4, %dma_start3A_98] : memref<4000x80xi32, #tpu.memory_space<hbm>> -> memref<125x80xi32, #tpu.memory_space<hbm>>
      tpu.enqueue_dma source(%dma_start3A_99 : memref<125x80xi32, #tpu.memory_space<hbm>>) target(%arg7 : memref<125x80xi32, #tpu.memory_space<vmem>>) target_semaphore(%run_scoped3A : memref<!tpu.dma_semaphore, #tpu.memory_space<semaphore_mem>>)
      %dma_wait3A_100 = arith.constant 0 : i32
      %dma_wait3A_101 = tpu.memref_slice %arg2[%mul3A_4, %dma_wait3A_100] : memref<4000x80xi32, #tpu.memory_space<hbm>> -> memref<125x80xi32, #tpu.memory_space<hbm>>
      %dma_wait3A_102 = arith.constant 0 : i32
      %dma_wait3A_103 = tpu.memref_slice %arg2[%mul3A_4, %dma_wait3A_102] : memref<4000x80xi32, #tpu.memory_space<hbm>> -> memref<125x80xi32, #tpu.memory_space<hbm>>
      tpu.wait_dma2 semaphore(%run_scoped3A : memref<!tpu.dma_semaphore, #tpu.memory_space<semaphore_mem>>) src(%dma_wait3A_103 : memref<125x80xi32, #tpu.memory_space<hbm>>) dst(%arg7 : memref<125x80xi32, #tpu.memory_space<vmem>>)
      tpu.yield
    }) : () -> ()
    %mul3A_12 = arith.constant 625 : i32
    %mul3A_13 = arith.muli %arg1, %mul3A_12 : i32
    %mul3A_14 = arith.constant 625 : i32
    %mul3A_15 = arith.muli %arg1, %mul3A_14 : i32
    %dma_wait3A = arith.constant 0 : i32
    %dma_wait3A_16 = tpu.memref_slice %arg6[%mul3A_15, %dma_wait3A] : memref<10000x64xf32, #tpu.memory_space<vmem_shared>> -> memref<625x64xf32, #tpu.memory_space<vmem_shared>>
    %dma_wait3A_17 = arith.constant 0 : i32
    %dma_wait3A_18 = tpu.memref_slice %arg4[%mul3A_13, %dma_wait3A_17] : memref<10000x64xf32, #tpu.memory_space<hbm>> -> memref<625x64xf32, #tpu.memory_space<hbm>>
    tpu.wait_dma2 semaphore(%arg11 : memref<!tpu.dma_semaphore, #tpu.memory_space<semaphore_mem>>) src(%dma_wait3A_18 : memref<625x64xf32, #tpu.memory_space<hbm>>) dst(%dma_wait3A_16 : memref<625x64xf32, #tpu.memory_space<vmem_shared>>)
    %barrier3A = arith.constant 0 : index
    tpu.barrier barrier_id(%barrier3A)
    %add3A_19 = arith.constant 0 : i32
    %add3A_20 = arith.addi %mul3A_2, %add3A_19 : i32
    %dma_start3A_21 = arith.constant 0 : i32
    %dma_start3A_22 = arith.constant 0 : i32
    %dma_start3A_23 = arith.constant 0 : i32
    %dma_start3A_24 = tpu.memref_slice %arg8[%dma_start3A_21, %dma_start3A_22, %dma_start3A_23] : memref<2x80x64xf32, #tpu.memory_space<vmem>> -> memref<1x80x64xf32, #tpu.memory_space<vmem>>
    %dma_start3A_25 = tpu.memref_squeeze %dma_start3A_24 : memref<1x80x64xf32, #tpu.memory_space<vmem>> -> memref<80x64xf32, #tpu.memory_space<vmem>>
    %dma_start3A_26 = arith.constant 0 : i32
    %dma_start3A_27 = tpu.memref_slice %arg3[%add3A_20, %dma_start3A_26] : memref<320000x64xf32, #tpu.memory_space<hbm>> -> memref<80x64xf32, #tpu.memory_space<hbm>>
    %dma_start3A_28 = arith.constant 0 : i32
    %dma_start3A_29 = arith.constant 0 : i32
    %dma_start3A_30 = tpu.memref_slice %arg8[%dma_start3A_21, %dma_start3A_28, %dma_start3A_29] : memref<2x80x64xf32, #tpu.memory_space<vmem>> -> memref<1x80x64xf32, #tpu.memory_space<vmem>>
    %dma_start3A_31 = tpu.memref_squeeze %dma_start3A_30 : memref<1x80x64xf32, #tpu.memory_space<vmem>> -> memref<80x64xf32, #tpu.memory_space<vmem>>
    %dma_start3A_32 = arith.constant 0 : i32
    %dma_start3A_33 = tpu.memref_slice %arg3[%add3A_20, %dma_start3A_32] : memref<320000x64xf32, #tpu.memory_space<hbm>> -> memref<80x64xf32, #tpu.memory_space<hbm>>
    tpu.enqueue_dma source(%dma_start3A_33 : memref<80x64xf32, #tpu.memory_space<hbm>>) target(%dma_start3A_31 : memref<80x64xf32, #tpu.memory_space<vmem>>) target_semaphore(%arg9 : memref<!tpu.dma_semaphore, #tpu.memory_space<semaphore_mem>>)
    %scan3A = arith.constant 0 : i32
    %scan3A_34 = arith.constant 0 : i32
    %scan3A_35 = arith.constant 62 : i32
    %scan3A_36 = arith.addi %scan3A_34, %scan3A_35 : i32
    %scan3A_37 = arith.constant 1 : i32
    %scan3A_38 = scf.for %scan3A_96 = %scan3A_34 to %scan3A_36 step %scan3A_37 iter_args(%scan3A_97 = %scan3A) -> (i32)  : i32 {
      %mul3A_98 = arith.constant 2 : i32
      %mul3A_99 = arith.muli %mul3A_98, %scan3A_96 : i32
      %mul3A_100 = arith.constant 80 : i32
      %mul3A_101 = arith.muli %mul3A_99, %mul3A_100 : i32
      %add3A_102 = arith.addi %mul3A_2, %mul3A_101 : i32
      %dma_wait3A_103 = arith.constant 0 : i32
      %dma_wait3A_104 = arith.constant 0 : i32
      %dma_wait3A_105 = arith.constant 0 : i32
      %dma_wait3A_106 = tpu.memref_slice %arg8[%dma_wait3A_103, %dma_wait3A_104, %dma_wait3A_105] : memref<2x80x64xf32, #tpu.memory_space<vmem>> -> memref<1x80x64xf32, #tpu.memory_space<vmem>>
      %dma_wait3A_107 = tpu.memref_squeeze %dma_wait3A_106 : memref<1x80x64xf32, #tpu.memory_space<vmem>> -> memref<80x64xf32, #tpu.memory_space<vmem>>
      %dma_wait3A_108 = arith.constant 0 : i32
      %dma_wait3A_109 = tpu.memref_slice %arg3[%add3A_102, %dma_wait3A_108] : memref<320000x64xf32, #tpu.memory_space<hbm>> -> memref<80x64xf32, #tpu.memory_space<hbm>>
      %dma_wait3A_110 = arith.constant 0 : i32
      %dma_wait3A_111 = arith.constant 0 : i32
      %dma_wait3A_112 = tpu.memref_slice %arg8[%dma_wait3A_103, %dma_wait3A_110, %dma_wait3A_111] : memref<2x80x64xf32, #tpu.memory_space<vmem>> -> memref<1x80x64xf32, #tpu.memory_space<vmem>>
      %dma_wait3A_113 = tpu.memref_squeeze %dma_wait3A_112 : memref<1x80x64xf32, #tpu.memory_space<vmem>> -> memref<80x64xf32, #tpu.memory_space<vmem>>
      %dma_wait3A_114 = arith.constant 0 : i32
      %dma_wait3A_115 = tpu.memref_slice %arg3[%add3A_102, %dma_wait3A_114] : memref<320000x64xf32, #tpu.memory_space<hbm>> -> memref<80x64xf32, #tpu.memory_space<hbm>>
      tpu.wait_dma2 semaphore(%arg9 : memref<!tpu.dma_semaphore, #tpu.memory_space<semaphore_mem>>) src(%dma_wait3A_115 : memref<80x64xf32, #tpu.memory_space<hbm>>) dst(%dma_wait3A_113 : memref<80x64xf32, #tpu.memory_space<vmem>>)
      %dma_start3A_116 = arith.constant 0 : i32
      %dma_start3A_117 = arith.constant 0 : i32
      %dma_start3A_118 = arith.constant 0 : i32
      %dma_start3A_119 = tpu.memref_slice %arg8[%dma_start3A_116, %dma_start3A_117, %dma_start3A_118] : memref<2x80x64xf32, #tpu.memory_space<vmem>> -> memref<1x80x64xf32, #tpu.memory_space<vmem>>
      %dma_start3A_120 = tpu.memref_squeeze %dma_start3A_119 : memref<1x80x64xf32, #tpu.memory_space<vmem>> -> memref<80x64xf32, #tpu.memory_space<vmem>>
      %dma_start3A_121 = arith.constant 0 : i32
      %dma_start3A_122 = tpu.memref_slice %arg7[%mul3A_99, %dma_start3A_121] : memref<125x80xi32, #tpu.memory_space<vmem>> -> memref<1x80xi32, #tpu.memory_space<vmem>>
      %dma_start3A_123 = tpu.memref_squeeze %dma_start3A_122 : memref<1x80xi32, #tpu.memory_space<vmem>> -> memref<80xi32, #tpu.memory_space<vmem>>
      %dma_start3A_124 = arith.constant 0 : i32
      %dma_start3A_125 = arith.constant 0 : i32
      %dma_start3A_126 = tpu.memref_slice %arg6[%dma_start3A_124, %dma_start3A_125] : memref<10000x64xf32, #tpu.memory_space<vmem_shared>> -> memref<10000x64xf32, #tpu.memory_space<vmem_shared>>
      tpu.enqueue_indirect_dma source(%dma_start3A_120 : memref<80x64xf32, #tpu.memory_space<vmem>>) target(%dma_start3A_126 : memref<10000x64xf32, #tpu.memory_space<vmem_shared>>) offsets(%dma_start3A_123 : memref<80xi32, #tpu.memory_space<vmem>>) semaphore(%arg11 : memref<!tpu.dma_semaphore, #tpu.memory_space<semaphore_mem>>) {add = true}
      %add3A_127 = arith.constant 1 : i32
      %add3A_128 = arith.addi %mul3A_99, %add3A_127 : i32
      %lt3A = arith.constant 125 : i32
      %lt3A_129 = arith.cmpi slt, %add3A_128, %lt3A : i32
      %convert_element_type3A = arith.extui %lt3A_129 : i1 to i32
      %cond3A = arith.constant 0 : i32
      %cond3A_130 = arith.cmpi ne, %convert_element_type3A, %cond3A : i32
      scf.if %cond3A_130 {
        %ge3A = arith.constant 1 : i32
        %ge3A_170 = arith.cmpi sge, %mul3A_99, %ge3A : i32
        %convert_element_type3A_171 = arith.extui %ge3A_170 : i1 to i32
        %cond3A_172 = arith.constant 0 : i32
        %cond3A_173 = arith.cmpi ne, %convert_element_type3A_171, %cond3A_172 : i32
        scf.if %cond3A_173 {
          %sub3A = arith.constant 1 : i32
          %sub3A_192 = arith.subi %mul3A_99, %sub3A : i32
          %dma_wait3A_193 = arith.constant 1 : i32
          %dma_wait3A_194 = arith.constant 0 : i32
          %dma_wait3A_195 = arith.constant 0 : i32
          %dma_wait3A_196 = tpu.memref_slice %arg8[%dma_wait3A_193, %dma_wait3A_194, %dma_wait3A_195] : memref<2x80x64xf32, #tpu.memory_space<vmem>> -> memref<1x80x64xf32, #tpu.memory_space<vmem>>
          %dma_wait3A_197 = tpu.memref_squeeze %dma_wait3A_196 : memref<1x80x64xf32, #tpu.memory_space<vmem>> -> memref<80x64xf32, #tpu.memory_space<vmem>>
          %dma_wait3A_198 = arith.constant 0 : i32
          %dma_wait3A_199 = tpu.memref_slice %arg7[%sub3A_192, %dma_wait3A_198] : memref<125x80xi32, #tpu.memory_space<vmem>> -> memref<1x80xi32, #tpu.memory_space<vmem>>
          %dma_wait3A_200 = tpu.memref_squeeze %dma_wait3A_199 : memref<1x80xi32, #tpu.memory_space<vmem>> -> memref<80xi32, #tpu.memory_space<vmem>>
          %dma_wait3A_201 = arith.constant 0 : i32
          %dma_wait3A_202 = arith.constant 0 : i32
          %dma_wait3A_203 = tpu.memref_slice %arg6[%dma_wait3A_201, %dma_wait3A_202] : memref<10000x64xf32, #tpu.memory_space<vmem_shared>> -> memref<10000x64xf32, #tpu.memory_space<vmem_shared>>
          tpu.wait_indirect_dma semaphore(%arg12 : memref<!tpu.dma_semaphore, #tpu.memory_space<semaphore_mem>>) src(%dma_wait3A_197 : memref<80x64xf32, #tpu.memory_space<vmem>>) dst(%dma_wait3A_203 : memref<10000x64xf32, #tpu.memory_space<vmem_shared>>)
        } else {
        }
        %add3A_174 = arith.constant 1 : i32
        %add3A_175 = arith.addi %mul3A_99, %add3A_174 : i32
        %mul3A_176 = arith.constant 80 : i32
        %mul3A_177 = arith.muli %add3A_175, %mul3A_176 : i32
        %add3A_178 = arith.addi %mul3A_2, %mul3A_177 : i32
        %dma_start3A_179 = arith.constant 1 : i32
        %dma_start3A_180 = arith.constant 0 : i32
        %dma_start3A_181 = arith.constant 0 : i32
        %dma_start3A_182 = tpu.memref_slice %arg8[%dma_start3A_179, %dma_start3A_180, %dma_start3A_181] : memref<2x80x64xf32, #tpu.memory_space<vmem>> -> memref<1x80x64xf32, #tpu.memory_space<vmem>>
        %dma_start3A_183 = tpu.memref_squeeze %dma_start3A_182 : memref<1x80x64xf32, #tpu.memory_space<vmem>> -> memref<80x64xf32, #tpu.memory_space<vmem>>
        %dma_start3A_184 = arith.constant 0 : i32
        %dma_start3A_185 = tpu.memref_slice %arg3[%add3A_178, %dma_start3A_184] : memref<320000x64xf32, #tpu.memory_space<hbm>> -> memref<80x64xf32, #tpu.memory_space<hbm>>
        %dma_start3A_186 = arith.constant 0 : i32
        %dma_start3A_187 = arith.constant 0 : i32
        %dma_start3A_188 = tpu.memref_slice %arg8[%dma_start3A_179, %dma_start3A_186, %dma_start3A_187] : memref<2x80x64xf32, #tpu.memory_space<vmem>> -> memref<1x80x64xf32, #tpu.memory_space<vmem>>
        %dma_start3A_189 = tpu.memref_squeeze %dma_start3A_188 : memref<1x80x64xf32, #tpu.memory_space<vmem>> -> memref<80x64xf32, #tpu.memory_space<vmem>>
        %dma_start3A_190 = arith.constant 0 : i32
        %dma_start3A_191 = tpu.memref_slice %arg3[%add3A_178, %dma_start3A_190] : memref<320000x64xf32, #tpu.memory_space<hbm>> -> memref<80x64xf32, #tpu.memory_space<hbm>>
        tpu.enqueue_dma source(%dma_start3A_191 : memref<80x64xf32, #tpu.memory_space<hbm>>) target(%dma_start3A_189 : memref<80x64xf32, #tpu.memory_space<vmem>>) target_semaphore(%arg10 : memref<!tpu.dma_semaphore, #tpu.memory_space<semaphore_mem>>)
      } else {
      }
      %mul3A_131 = arith.constant 2 : i32
      %mul3A_132 = arith.muli %mul3A_131, %scan3A_96 : i32
      %add3A_133 = arith.constant 1 : i32
      %add3A_134 = arith.addi %mul3A_132, %add3A_133 : i32
      %mul3A_135 = arith.constant 80 : i32
      %mul3A_136 = arith.muli %add3A_134, %mul3A_135 : i32
      %add3A_137 = arith.addi %mul3A_2, %mul3A_136 : i32
      %dma_wait3A_138 = arith.constant 1 : i32
      %dma_wait3A_139 = arith.constant 0 : i32
      %dma_wait3A_140 = arith.constant 0 : i32
      %dma_wait3A_141 = tpu.memref_slice %arg8[%dma_wait3A_138, %dma_wait3A_139, %dma_wait3A_140] : memref<2x80x64xf32, #tpu.memory_space<vmem>> -> memref<1x80x64xf32, #tpu.memory_space<vmem>>
      %dma_wait3A_142 = tpu.memref_squeeze %dma_wait3A_141 : memref<1x80x64xf32, #tpu.memory_space<vmem>> -> memref<80x64xf32, #tpu.memory_space<vmem>>
      %dma_wait3A_143 = arith.constant 0 : i32
      %dma_wait3A_144 = tpu.memref_slice %arg3[%add3A_137, %dma_wait3A_143] : memref<320000x64xf32, #tpu.memory_space<hbm>> -> memref<80x64xf32, #tpu.memory_space<hbm>>
      %dma_wait3A_145 = arith.constant 0 : i32
      %dma_wait3A_146 = arith.constant 0 : i32
      %dma_wait3A_147 = tpu.memref_slice %arg8[%dma_wait3A_138, %dma_wait3A_145, %dma_wait3A_146] : memref<2x80x64xf32, #tpu.memory_space<vmem>> -> memref<1x80x64xf32, #tpu.memory_space<vmem>>
      %dma_wait3A_148 = tpu.memref_squeeze %dma_wait3A_147 : memref<1x80x64xf32, #tpu.memory_space<vmem>> -> memref<80x64xf32, #tpu.memory_space<vmem>>
      %dma_wait3A_149 = arith.constant 0 : i32
      %dma_wait3A_150 = tpu.memref_slice %arg3[%add3A_137, %dma_wait3A_149] : memref<320000x64xf32, #tpu.memory_space<hbm>> -> memref<80x64xf32, #tpu.memory_space<hbm>>
      tpu.wait_dma2 semaphore(%arg10 : memref<!tpu.dma_semaphore, #tpu.memory_space<semaphore_mem>>) src(%dma_wait3A_150 : memref<80x64xf32, #tpu.memory_space<hbm>>) dst(%dma_wait3A_148 : memref<80x64xf32, #tpu.memory_space<vmem>>)
      %dma_start3A_151 = arith.constant 1 : i32
      %dma_start3A_152 = arith.constant 0 : i32
      %dma_start3A_153 = arith.constant 0 : i32
      %dma_start3A_154 = tpu.memref_slice %arg8[%dma_start3A_151, %dma_start3A_152, %dma_start3A_153] : memref<2x80x64xf32, #tpu.memory_space<vmem>> -> memref<1x80x64xf32, #tpu.memory_space<vmem>>
      %dma_start3A_155 = tpu.memref_squeeze %dma_start3A_154 : memref<1x80x64xf32, #tpu.memory_space<vmem>> -> memref<80x64xf32, #tpu.memory_space<vmem>>
      %dma_start3A_156 = arith.constant 0 : i32
      %dma_start3A_157 = tpu.memref_slice %arg7[%add3A_134, %dma_start3A_156] : memref<125x80xi32, #tpu.memory_space<vmem>> -> memref<1x80xi32, #tpu.memory_space<vmem>>
      %dma_start3A_158 = tpu.memref_squeeze %dma_start3A_157 : memref<1x80xi32, #tpu.memory_space<vmem>> -> memref<80xi32, #tpu.memory_space<vmem>>
      %dma_start3A_159 = arith.constant 0 : i32
      %dma_start3A_160 = arith.constant 0 : i32
      %dma_start3A_161 = tpu.memref_slice %arg6[%dma_start3A_159, %dma_start3A_160] : memref<10000x64xf32, #tpu.memory_space<vmem_shared>> -> memref<10000x64xf32, #tpu.memory_space<vmem_shared>>
      tpu.enqueue_indirect_dma source(%dma_start3A_155 : memref<80x64xf32, #tpu.memory_space<vmem>>) target(%dma_start3A_161 : memref<10000x64xf32, #tpu.memory_space<vmem_shared>>) offsets(%dma_start3A_158 : memref<80xi32, #tpu.memory_space<vmem>>) semaphore(%arg12 : memref<!tpu.dma_semaphore, #tpu.memory_space<semaphore_mem>>) {add = true}
      %add3A_162 = arith.constant 1 : i32
      %add3A_163 = arith.addi %add3A_134, %add3A_162 : i32
      %lt3A_164 = arith.constant 125 : i32
      %lt3A_165 = arith.cmpi slt, %add3A_163, %lt3A_164 : i32
      %convert_element_type3A_166 = arith.extui %lt3A_165 : i1 to i32
      %cond3A_167 = arith.constant 0 : i32
      %cond3A_168 = arith.cmpi ne, %convert_element_type3A_166, %cond3A_167 : i32
      scf.if %cond3A_168 {
        %ge3A = arith.constant 1 : i32
        %ge3A_170 = arith.cmpi sge, %add3A_134, %ge3A : i32
        %convert_element_type3A_171 = arith.extui %ge3A_170 : i1 to i32
        %cond3A_172 = arith.constant 0 : i32
        %cond3A_173 = arith.cmpi ne, %convert_element_type3A_171, %cond3A_172 : i32
        scf.if %cond3A_173 {
          %sub3A = arith.constant 1 : i32
          %sub3A_192 = arith.subi %add3A_134, %sub3A : i32
          %dma_wait3A_193 = arith.constant 0 : i32
          %dma_wait3A_194 = arith.constant 0 : i32
          %dma_wait3A_195 = arith.constant 0 : i32
          %dma_wait3A_196 = tpu.memref_slice %arg8[%dma_wait3A_193, %dma_wait3A_194, %dma_wait3A_195] : memref<2x80x64xf32, #tpu.memory_space<vmem>> -> memref<1x80x64xf32, #tpu.memory_space<vmem>>
          %dma_wait3A_197 = tpu.memref_squeeze %dma_wait3A_196 : memref<1x80x64xf32, #tpu.memory_space<vmem>> -> memref<80x64xf32, #tpu.memory_space<vmem>>
          %dma_wait3A_198 = arith.constant 0 : i32
          %dma_wait3A_199 = tpu.memref_slice %arg7[%sub3A_192, %dma_wait3A_198] : memref<125x80xi32, #tpu.memory_space<vmem>> -> memref<1x80xi32, #tpu.memory_space<vmem>>
          %dma_wait3A_200 = tpu.memref_squeeze %dma_wait3A_199 : memref<1x80xi32, #tpu.memory_space<vmem>> -> memref<80xi32, #tpu.memory_space<vmem>>
          %dma_wait3A_201 = arith.constant 0 : i32
          %dma_wait3A_202 = arith.constant 0 : i32
          %dma_wait3A_203 = tpu.memref_slice %arg6[%dma_wait3A_201, %dma_wait3A_202] : memref<10000x64xf32, #tpu.memory_space<vmem_shared>> -> memref<10000x64xf32, #tpu.memory_space<vmem_shared>>
          tpu.wait_indirect_dma semaphore(%arg11 : memref<!tpu.dma_semaphore, #tpu.memory_space<semaphore_mem>>) src(%dma_wait3A_197 : memref<80x64xf32, #tpu.memory_space<vmem>>) dst(%dma_wait3A_203 : memref<10000x64xf32, #tpu.memory_space<vmem_shared>>)
        } else {
        }
        %add3A_174 = arith.constant 1 : i32
        %add3A_175 = arith.addi %add3A_134, %add3A_174 : i32
        %mul3A_176 = arith.constant 80 : i32
        %mul3A_177 = arith.muli %add3A_175, %mul3A_176 : i32
        %add3A_178 = arith.addi %mul3A_2, %mul3A_177 : i32
        %dma_start3A_179 = arith.constant 0 : i32
        %dma_start3A_180 = arith.constant 0 : i32
        %dma_start3A_181 = arith.constant 0 : i32
        %dma_start3A_182 = tpu.memref_slice %arg8[%dma_start3A_179, %dma_start3A_180, %dma_start3A_181] : memref<2x80x64xf32, #tpu.memory_space<vmem>> -> memref<1x80x64xf32, #tpu.memory_space<vmem>>
        %dma_start3A_183 = tpu.memref_squeeze %dma_start3A_182 : memref<1x80x64xf32, #tpu.memory_space<vmem>> -> memref<80x64xf32, #tpu.memory_space<vmem>>
        %dma_start3A_184 = arith.constant 0 : i32
        %dma_start3A_185 = tpu.memref_slice %arg3[%add3A_178, %dma_start3A_184] : memref<320000x64xf32, #tpu.memory_space<hbm>> -> memref<80x64xf32, #tpu.memory_space<hbm>>
        %dma_start3A_186 = arith.constant 0 : i32
        %dma_start3A_187 = arith.constant 0 : i32
        %dma_start3A_188 = tpu.memref_slice %arg8[%dma_start3A_179, %dma_start3A_186, %dma_start3A_187] : memref<2x80x64xf32, #tpu.memory_space<vmem>> -> memref<1x80x64xf32, #tpu.memory_space<vmem>>
        %dma_start3A_189 = tpu.memref_squeeze %dma_start3A_188 : memref<1x80x64xf32, #tpu.memory_space<vmem>> -> memref<80x64xf32, #tpu.memory_space<vmem>>
        %dma_start3A_190 = arith.constant 0 : i32
        %dma_start3A_191 = tpu.memref_slice %arg3[%add3A_178, %dma_start3A_190] : memref<320000x64xf32, #tpu.memory_space<hbm>> -> memref<80x64xf32, #tpu.memory_space<hbm>>
        tpu.enqueue_dma source(%dma_start3A_191 : memref<80x64xf32, #tpu.memory_space<hbm>>) target(%dma_start3A_189 : memref<80x64xf32, #tpu.memory_space<vmem>>) target_semaphore(%arg9 : memref<!tpu.dma_semaphore, #tpu.memory_space<semaphore_mem>>)
      } else {
      }
      %scan3A_169 = arith.constant 0 : i32
      scf.yield %scan3A_169 : i32
    }
    %scan3A_39 = arith.constant 62 : i32
    %add3A_40 = arith.constant 9920 : i32
    %add3A_41 = arith.addi %mul3A_2, %add3A_40 : i32
    %dma_wait3A_42 = arith.constant 0 : i32
    %dma_wait3A_43 = arith.constant 0 : i32
    %dma_wait3A_44 = arith.constant 0 : i32
    %dma_wait3A_45 = tpu.memref_slice %arg8[%dma_wait3A_42, %dma_wait3A_43, %dma_wait3A_44] : memref<2x80x64xf32, #tpu.memory_space<vmem>> -> memref<1x80x64xf32, #tpu.memory_space<vmem>>
    %dma_wait3A_46 = tpu.memref_squeeze %dma_wait3A_45 : memref<1x80x64xf32, #tpu.memory_space<vmem>> -> memref<80x64xf32, #tpu.memory_space<vmem>>
    %dma_wait3A_47 = arith.constant 0 : i32
    %dma_wait3A_48 = tpu.memref_slice %arg3[%add3A_41, %dma_wait3A_47] : memref<320000x64xf32, #tpu.memory_space<hbm>> -> memref<80x64xf32, #tpu.memory_space<hbm>>
    %dma_wait3A_49 = arith.constant 0 : i32
    %dma_wait3A_50 = arith.constant 0 : i32
    %dma_wait3A_51 = tpu.memref_slice %arg8[%dma_wait3A_42, %dma_wait3A_49, %dma_wait3A_50] : memref<2x80x64xf32, #tpu.memory_space<vmem>> -> memref<1x80x64xf32, #tpu.memory_space<vmem>>
    %dma_wait3A_52 = tpu.memref_squeeze %dma_wait3A_51 : memref<1x80x64xf32, #tpu.memory_space<vmem>> -> memref<80x64xf32, #tpu.memory_space<vmem>>
    %dma_wait3A_53 = arith.constant 0 : i32
    %dma_wait3A_54 = tpu.memref_slice %arg3[%add3A_41, %dma_wait3A_53] : memref<320000x64xf32, #tpu.memory_space<hbm>> -> memref<80x64xf32, #tpu.memory_space<hbm>>
    tpu.wait_dma2 semaphore(%arg9 : memref<!tpu.dma_semaphore, #tpu.memory_space<semaphore_mem>>) src(%dma_wait3A_54 : memref<80x64xf32, #tpu.memory_space<hbm>>) dst(%dma_wait3A_52 : memref<80x64xf32, #tpu.memory_space<vmem>>)
    %dma_start3A_55 = arith.constant 0 : i32
    %dma_start3A_56 = arith.constant 124 : i32
    %dma_start3A_57 = arith.constant 0 : i32
    %dma_start3A_58 = arith.constant 0 : i32
    %dma_start3A_59 = tpu.memref_slice %arg8[%dma_start3A_55, %dma_start3A_57, %dma_start3A_58] : memref<2x80x64xf32, #tpu.memory_space<vmem>> -> memref<1x80x64xf32, #tpu.memory_space<vmem>>
    %dma_start3A_60 = tpu.memref_squeeze %dma_start3A_59 : memref<1x80x64xf32, #tpu.memory_space<vmem>> -> memref<80x64xf32, #tpu.memory_space<vmem>>
    %dma_start3A_61 = arith.constant 0 : i32
    %dma_start3A_62 = tpu.memref_slice %arg7[%dma_start3A_56, %dma_start3A_61] : memref<125x80xi32, #tpu.memory_space<vmem>> -> memref<1x80xi32, #tpu.memory_space<vmem>>
    %dma_start3A_63 = tpu.memref_squeeze %dma_start3A_62 : memref<1x80xi32, #tpu.memory_space<vmem>> -> memref<80xi32, #tpu.memory_space<vmem>>
    %dma_start3A_64 = arith.constant 0 : i32
    %dma_start3A_65 = arith.constant 0 : i32
    %dma_start3A_66 = tpu.memref_slice %arg6[%dma_start3A_64, %dma_start3A_65] : memref<10000x64xf32, #tpu.memory_space<vmem_shared>> -> memref<10000x64xf32, #tpu.memory_space<vmem_shared>>
    tpu.enqueue_indirect_dma source(%dma_start3A_60 : memref<80x64xf32, #tpu.memory_space<vmem>>) target(%dma_start3A_66 : memref<10000x64xf32, #tpu.memory_space<vmem_shared>>) offsets(%dma_start3A_63 : memref<80xi32, #tpu.memory_space<vmem>>) semaphore(%arg11 : memref<!tpu.dma_semaphore, #tpu.memory_space<semaphore_mem>>) {add = true}
    %dma_wait3A_67 = arith.constant 0 : i32
    %dma_wait3A_68 = arith.constant 124 : i32
    %dma_wait3A_69 = arith.constant 0 : i32
    %dma_wait3A_70 = arith.constant 0 : i32
    %dma_wait3A_71 = tpu.memref_slice %arg8[%dma_wait3A_67, %dma_wait3A_69, %dma_wait3A_70] : memref<2x80x64xf32, #tpu.memory_space<vmem>> -> memref<1x80x64xf32, #tpu.memory_space<vmem>>
    %dma_wait3A_72 = tpu.memref_squeeze %dma_wait3A_71 : memref<1x80x64xf32, #tpu.memory_space<vmem>> -> memref<80x64xf32, #tpu.memory_space<vmem>>
    %dma_wait3A_73 = arith.constant 0 : i32
    %dma_wait3A_74 = tpu.memref_slice %arg7[%dma_wait3A_68, %dma_wait3A_73] : memref<125x80xi32, #tpu.memory_space<vmem>> -> memref<1x80xi32, #tpu.memory_space<vmem>>
    %dma_wait3A_75 = tpu.memref_squeeze %dma_wait3A_74 : memref<1x80xi32, #tpu.memory_space<vmem>> -> memref<80xi32, #tpu.memory_space<vmem>>
    %dma_wait3A_76 = arith.constant 0 : i32
    %dma_wait3A_77 = arith.constant 0 : i32
    %dma_wait3A_78 = tpu.memref_slice %arg6[%dma_wait3A_76, %dma_wait3A_77] : memref<10000x64xf32, #tpu.memory_space<vmem_shared>> -> memref<10000x64xf32, #tpu.memory_space<vmem_shared>>
    tpu.wait_indirect_dma semaphore(%arg11 : memref<!tpu.dma_semaphore, #tpu.memory_space<semaphore_mem>>) src(%dma_wait3A_72 : memref<80x64xf32, #tpu.memory_space<vmem>>) dst(%dma_wait3A_78 : memref<10000x64xf32, #tpu.memory_space<vmem_shared>>)
    %dma_wait3A_79 = arith.constant 1 : i32
    %dma_wait3A_80 = arith.constant 123 : i32
    %dma_wait3A_81 = arith.constant 0 : i32
    %dma_wait3A_82 = arith.constant 0 : i32
    %dma_wait3A_83 = tpu.memref_slice %arg8[%dma_wait3A_79, %dma_wait3A_81, %dma_wait3A_82] : memref<2x80x64xf32, #tpu.memory_space<vmem>> -> memref<1x80x64xf32, #tpu.memory_space<vmem>>
    %dma_wait3A_84 = tpu.memref_squeeze %dma_wait3A_83 : memref<1x80x64xf32, #tpu.memory_space<vmem>> -> memref<80x64xf32, #tpu.memory_space<vmem>>
    %dma_wait3A_85 = arith.constant 0 : i32
    %dma_wait3A_86 = tpu.memref_slice %arg7[%dma_wait3A_80, %dma_wait3A_85] : memref<125x80xi32, #tpu.memory_space<vmem>> -> memref<1x80xi32, #tpu.memory_space<vmem>>
    %dma_wait3A_87 = tpu.memref_squeeze %dma_wait3A_86 : memref<1x80xi32, #tpu.memory_space<vmem>> -> memref<80xi32, #tpu.memory_space<vmem>>
    %dma_wait3A_88 = arith.constant 0 : i32
    %dma_wait3A_89 = arith.constant 0 : i32
    %dma_wait3A_90 = tpu.memref_slice %arg6[%dma_wait3A_88, %dma_wait3A_89] : memref<10000x64xf32, #tpu.memory_space<vmem_shared>> -> memref<10000x64xf32, #tpu.memory_space<vmem_shared>>
    tpu.wait_indirect_dma semaphore(%arg12 : memref<!tpu.dma_semaphore, #tpu.memory_space<semaphore_mem>>) src(%dma_wait3A_84 : memref<80x64xf32, #tpu.memory_space<vmem>>) dst(%dma_wait3A_90 : memref<10000x64xf32, #tpu.memory_space<vmem_shared>>)
    %barrier3A_91 = arith.constant 0 : index
    tpu.barrier barrier_id(%barrier3A_91)
    %mul3A_92 = arith.constant 625 : i32
    %mul3A_93 = arith.muli %arg1, %mul3A_92 : i32
    %mul3A_94 = arith.constant 625 : i32
    %mul3A_95 = arith.muli %arg1, %mul3A_94 : i32
    "tpu.region"() ({
      %run_scoped3A = tpu.sem_alloc : memref<!tpu.dma_semaphore, #tpu.memory_space<semaphore_mem>>
      %dma_start3A_96 = arith.constant 0 : i32
      %dma_start3A_97 = tpu.memref_slice %arg5[%arg0, %mul3A_95, %dma_start3A_96] : memref<2x10000x64xf32, #tpu.memory_space<hbm>> -> memref<1x625x64xf32, #tpu.memory_space<hbm>>
      %dma_start3A_98 = tpu.memref_squeeze %dma_start3A_97 : memref<1x625x64xf32, #tpu.memory_space<hbm>> -> memref<625x64xf32, #tpu.memory_space<hbm>>
      %dma_start3A_99 = arith.constant 0 : i32
      %dma_start3A_100 = tpu.memref_slice %arg6[%mul3A_93, %dma_start3A_99] : memref<10000x64xf32, #tpu.memory_space<vmem_shared>> -> memref<625x64xf32, #tpu.memory_space<vmem_shared>>
      tpu.enqueue_dma source(%dma_start3A_100 : memref<625x64xf32, #tpu.memory_space<vmem_shared>>) target(%dma_start3A_98 : memref<625x64xf32, #tpu.memory_space<hbm>>) target_semaphore(%run_scoped3A : memref<!tpu.dma_semaphore, #tpu.memory_space<semaphore_mem>>)
      %dma_wait3A_101 = arith.constant 0 : i32
      %dma_wait3A_102 = tpu.memref_slice %arg5[%arg0, %mul3A_95, %dma_wait3A_101] : memref<2x10000x64xf32, #tpu.memory_space<hbm>> -> memref<1x625x64xf32, #tpu.memory_space<hbm>>
      %dma_wait3A_103 = tpu.memref_squeeze %dma_wait3A_102 : memref<1x625x64xf32, #tpu.memory_space<hbm>> -> memref<625x64xf32, #tpu.memory_space<hbm>>
      %dma_wait3A_104 = arith.constant 0 : i32
      %dma_wait3A_105 = tpu.memref_slice %arg6[%mul3A_93, %dma_wait3A_104] : memref<10000x64xf32, #tpu.memory_space<vmem_shared>> -> memref<625x64xf32, #tpu.memory_space<vmem_shared>>
      tpu.wait_dma2 semaphore(%run_scoped3A : memref<!tpu.dma_semaphore, #tpu.memory_space<semaphore_mem>>) src(%dma_wait3A_105 : memref<625x64xf32, #tpu.memory_space<vmem_shared>>) dst(%dma_wait3A_103 : memref<625x64xf32, #tpu.memory_space<hbm>>)
      tpu.yield
    }) : () -> ()
    return
  }
}

module attributes {stable_mosaic.version = 14 : i64} {
  func.func @_proj_body(%arg0: i32, %arg1: memref<1000x128xf32, #tpu.memory_space<vmem>>, %arg2: memref<1000x64xf32, #tpu.memory_space<vmem>>, %arg3: memref<64x64xf32, #tpu.memory_space<vmem>>, %arg4: memref<128x64xf32, #tpu.memory_space<vmem>>, %arg5: memref<128x64xf32, #tpu.memory_space<vmem>>, %arg6: memref<64x64xf32, #tpu.memory_space<vmem>>, %arg7: memref<1x64xf32, #tpu.memory_space<vmem>>, %arg8: memref<1000x64xf32, #tpu.memory_space<vmem>>, %arg9: memref<1000x64xf32, #tpu.memory_space<vmem>>) attributes {dimension_semantics = [#tpu.dimension_semantics<arbitrary>], iteration_bounds = array<i64: 10>, scalar_prefetch = 0 : i64, scratch_operands = 0 : i64, tpu.core_type = #tpu.core_type<tc>, window_params = [{transform_indices = @transform_0, window_bounds = array<i64: 1000, 128>}, {transform_indices = @transform_1, window_bounds = array<i64: 1000, 64>}, {pipeline_mode = #tpu.pipeline_mode<synchronous>, transform_indices = @transform_2, window_bounds = array<i64: 64, 64>}, {pipeline_mode = #tpu.pipeline_mode<synchronous>, transform_indices = @transform_3, window_bounds = array<i64: 128, 64>}, {pipeline_mode = #tpu.pipeline_mode<synchronous>, transform_indices = @transform_4, window_bounds = array<i64: 128, 64>}, {pipeline_mode = #tpu.pipeline_mode<synchronous>, transform_indices = @transform_5, window_bounds = array<i64: 64, 64>}, {pipeline_mode = #tpu.pipeline_mode<synchronous>, transform_indices = @transform_6, window_bounds = array<i64: 1, 64>}, {transform_indices = @transform_7, window_bounds = array<i64: 1000, 64>}, {transform_indices = @transform_8, window_bounds = array<i64: 1000, 64>}]} {
    %get3A = arith.constant 0 : index
    %get3A_0 = arith.constant 0 : index
    %get3A_1 = vector.load %arg1[%get3A, %get3A_0] : memref<1000x128xf32, #tpu.memory_space<vmem>>, vector<1000x128xf32>
    %get3A_2 = arith.constant 0 : index
    %get3A_3 = arith.constant 0 : index
    %get3A_4 = vector.load %arg4[%get3A_2, %get3A_3] : memref<128x64xf32, #tpu.memory_space<vmem>>, vector<128x64xf32>
    %dot_general3A = arith.constant dense<0.000000e+00> : vector<1000x64xf32>
    %dot_general3A_5 = tpu.matmul %get3A_1, %get3A_4, %dot_general3A {dimension_numbers = #tpu.dot_dimension_numbers<[1], [0], [0], [1], [0, 0, 1, 1], [], []>, transpose_lhs_hint = false} : vector<1000x128xf32>, vector<128x64xf32>, vector<1000x64xf32> -> vector<1000x64xf32>
    %swap3A = arith.constant 0 : index
    %swap3A_6 = arith.constant 0 : index
    %swap3A_7 = vector.load %arg8[%swap3A, %swap3A_6] : memref<1000x64xf32, #tpu.memory_space<vmem>>, vector<1000x64xf32>
    tpu.vector_store %arg8[%swap3A, %swap3A_6], %dot_general3A_5 {strides = array<i32>} : memref<1000x64xf32, #tpu.memory_space<vmem>>, vector<1000x64xf32>,
    %get3A_8 = arith.constant 0 : index
    %get3A_9 = arith.constant 0 : index
    %get3A_10 = vector.load %arg3[%get3A_8, %get3A_9] : memref<64x64xf32, #tpu.memory_space<vmem>>, vector<64x64xf32>
    %get3A_11 = arith.constant 0 : index
    %get3A_12 = arith.constant 0 : index
    %get3A_13 = vector.load %arg6[%get3A_11, %get3A_12] : memref<64x64xf32, #tpu.memory_space<vmem>>, vector<64x64xf32>
    %dot_general3A_14 = arith.constant dense<0.000000e+00> : vector<64x64xf32>
    %dot_general3A_15 = tpu.matmul %get3A_10, %get3A_13, %dot_general3A_14 {dimension_numbers = #tpu.dot_dimension_numbers<[1], [0], [0], [1], [0, 0, 1, 1], [], []>, transpose_lhs_hint = false} : vector<64x64xf32>, vector<64x64xf32>, vector<64x64xf32> -> vector<64x64xf32>
    %get3A_16 = arith.constant 0 : index
    %get3A_17 = arith.constant 0 : index
    %get3A_18 = vector.load %arg5[%get3A_16, %get3A_17] : memref<128x64xf32, #tpu.memory_space<vmem>>, vector<128x64xf32>
    %dot_general3A_19 = arith.constant dense<0.000000e+00> : vector<1000x64xf32>
    %dot_general3A_20 = tpu.matmul %get3A_1, %get3A_18, %dot_general3A_19 {dimension_numbers = #tpu.dot_dimension_numbers<[1], [0], [0], [1], [0, 0, 1, 1], [], []>, transpose_lhs_hint = false} : vector<1000x128xf32>, vector<128x64xf32>, vector<1000x64xf32> -> vector<1000x64xf32>
    %get3A_21 = arith.constant 0 : index
    %get3A_22 = arith.constant 0 : index
    %get3A_23 = vector.load %arg2[%get3A_21, %get3A_22] : memref<1000x64xf32, #tpu.memory_space<vmem>>, vector<1000x64xf32>
    %dot_general3A_24 = arith.constant dense<0.000000e+00> : vector<1000x64xf32>
    %dot_general3A_25 = tpu.matmul %get3A_23, %dot_general3A_15, %dot_general3A_24 {dimension_numbers = #tpu.dot_dimension_numbers<[1], [0], [0], [1], [0, 0, 1, 1], [], []>, precision = #tpu.contract_precision<fp32>, transpose_lhs_hint = false} : vector<1000x64xf32>, vector<64x64xf32>, vector<1000x64xf32> -> vector<1000x64xf32>
    %add3A = arith.addf %dot_general3A_20, %dot_general3A_25 : vector<1000x64xf32>
    %get3A_26 = arith.constant 0 : index
    %get3A_27 = arith.constant 0 : index
    %get3A_28 = vector.load %arg7[%get3A_26, %get3A_27] : memref<1x64xf32, #tpu.memory_space<vmem>>, vector<1x64xf32>
    %add3A_29 = vector.broadcast %get3A_28 : vector<1x64xf32> to vector<1000x64xf32>
    %add3A_30 = arith.addf %add3A, %add3A_29 : vector<1000x64xf32>
    %swap3A_31 = arith.constant 0 : index
    %swap3A_32 = arith.constant 0 : index
    %swap3A_33 = vector.load %arg9[%swap3A_31, %swap3A_32] : memref<1000x64xf32, #tpu.memory_space<vmem>>, vector<1000x64xf32>
    tpu.vector_store %arg9[%swap3A_31, %swap3A_32], %add3A_30 {strides = array<i32>} : memref<1000x64xf32, #tpu.memory_space<vmem>>, vector<1000x64xf32>,
    return
  }
  func.func @transform_0(%arg0: i32) -> (i32, i32) {
    %c0_i32 = arith.constant 0 : i32
    %c0_i32_0 = arith.constant 0 : i32
    return %arg0, %c0_i32 : i32, i32
  }
  func.func @transform_1(%arg0: i32) -> (i32, i32) {
    %c0_i32 = arith.constant 0 : i32
    %c0_i32_0 = arith.constant 0 : i32
    return %arg0, %c0_i32 : i32, i32
  }
  func.func @transform_2(%arg0: i32) -> (i32, i32) {
    %c0_i32 = arith.constant 0 : i32
    %c0_i32_0 = arith.constant 0 : i32
    %c0_i32_1 = arith.constant 0 : i32
    return %c0_i32, %c0_i32_0 : i32, i32
  }
  func.func @transform_3(%arg0: i32) -> (i32, i32) {
    %c0_i32 = arith.constant 0 : i32
    %c0_i32_0 = arith.constant 0 : i32
    %c0_i32_1 = arith.constant 0 : i32
    return %c0_i32, %c0_i32_0 : i32, i32
  }
  func.func @transform_4(%arg0: i32) -> (i32, i32) {
    %c0_i32 = arith.constant 0 : i32
    %c0_i32_0 = arith.constant 0 : i32
    %c0_i32_1 = arith.constant 0 : i32
    return %c0_i32, %c0_i32_0 : i32, i32
  }
  func.func @transform_5(%arg0: i32) -> (i32, i32) {
    %c0_i32 = arith.constant 0 : i32
    %c0_i32_0 = arith.constant 0 : i32
    %c0_i32_1 = arith.constant 0 : i32
    return %c0_i32, %c0_i32_0 : i32, i32
  }
  func.func @transform_6(%arg0: i32) -> (i32, i32) {
    %c0_i32 = arith.constant 0 : i32
    %c0_i32_0 = arith.constant 0 : i32
    %c0_i32_1 = arith.constant 0 : i32
    return %c0_i32, %c0_i32_0 : i32, i32
  }
  func.func @transform_7(%arg0: i32) -> (i32, i32) {
    %c0_i32 = arith.constant 0 : i32
    %c0_i32_0 = arith.constant 0 : i32
    return %arg0, %c0_i32 : i32, i32
  }
  func.func @transform_8(%arg0: i32) -> (i32, i32) {
    %c0_i32 = arith.constant 0 : i32
    %c0_i32_0 = arith.constant 0 : i32
    return %arg0, %c0_i32 : i32, i32
  }
}

module attributes {stable_mosaic.version = 14 : i64} {
  func.func @_edge_body(%arg0: i32, %arg1: memref<4000x64xf32, #tpu.memory_space<vmem>>, %arg2: memref<4000x16xf32, #tpu.memory_space<vmem>>, %arg3: memref<16x64xf32, #tpu.memory_space<vmem>>, %arg4: memref<64x64xf32, #tpu.memory_space<vmem>>, %arg5: memref<1x64xf32, #tpu.memory_space<vmem>>, %arg6: memref<64x1xf32, #tpu.memory_space<vmem>>, %arg7: memref<1x1xf32, #tpu.memory_space<vmem>>, %arg8: memref<64x16xf32, #tpu.memory_space<vmem>>, %arg9: memref<1x16xf32, #tpu.memory_space<vmem>>, %arg10: memref<16x16xf32, #tpu.memory_space<vmem>>, %arg11: memref<1x16xf32, #tpu.memory_space<vmem>>, %arg12: memref<4000x16xf32, #tpu.memory_space<vmem>>, %arg13: memref<4000x64xf32, #tpu.memory_space<vmem>>) attributes {dimension_semantics = [#tpu.dimension_semantics<arbitrary>], iteration_bounds = array<i64: 80>, scalar_prefetch = 0 : i64, scratch_operands = 0 : i64, tpu.core_type = #tpu.core_type<tc>, window_params = [{transform_indices = @transform_0, window_bounds = array<i64: 4000, 64>}, {transform_indices = @transform_1, window_bounds = array<i64: 4000, 16>}, {pipeline_mode = #tpu.pipeline_mode<synchronous>, transform_indices = @transform_2, window_bounds = array<i64: 16, 64>}, {pipeline_mode = #tpu.pipeline_mode<synchronous>, transform_indices = @transform_3, window_bounds = array<i64: 64, 64>}, {pipeline_mode = #tpu.pipeline_mode<synchronous>, transform_indices = @transform_4, window_bounds = array<i64: 1, 64>}, {pipeline_mode = #tpu.pipeline_mode<synchronous>, transform_indices = @transform_5, window_bounds = array<i64: 64, 1>}, {pipeline_mode = #tpu.pipeline_mode<synchronous>, transform_indices = @transform_6, window_bounds = array<i64: 1, 1>}, {pipeline_mode = #tpu.pipeline_mode<synchronous>, transform_indices = @transform_7, window_bounds = array<i64: 64, 16>}, {pipeline_mode = #tpu.pipeline_mode<synchronous>, transform_indices = @transform_8, window_bounds = array<i64: 1, 16>}, {pipeline_mode = #tpu.pipeline_mode<synchronous>, transform_indices = @transform_9, window_bounds = array<i64: 16, 16>}, {pipeline_mode = #tpu.pipeline_mode<synchronous>, transform_indices = @transform_10, window_bounds = array<i64: 1, 16>}, {transform_indices = @transform_11, window_bounds = array<i64: 4000, 16>}, {transform_indices = @transform_12, window_bounds = array<i64: 4000, 64>}]} {
    %get3A = arith.constant 0 : index
    %get3A_0 = arith.constant 0 : index
    %get3A_1 = vector.load %arg2[%get3A, %get3A_0] : memref<4000x16xf32, #tpu.memory_space<vmem>>, vector<4000x16xf32>
    %get3A_2 = arith.constant 0 : index
    %get3A_3 = arith.constant 0 : index
    %get3A_4 = vector.load %arg1[%get3A_2, %get3A_3] : memref<4000x64xf32, #tpu.memory_space<vmem>>, vector<4000x64xf32>
    %get3A_5 = arith.constant 0 : index
    %get3A_6 = arith.constant 0 : index
    %get3A_7 = vector.load %arg3[%get3A_5, %get3A_6] : memref<16x64xf32, #tpu.memory_space<vmem>>, vector<16x64xf32>
    %dot_general3A = arith.constant dense<0.000000e+00> : vector<4000x64xf32>
    %dot_general3A_8 = tpu.matmul %get3A_1, %get3A_7, %dot_general3A {dimension_numbers = #tpu.dot_dimension_numbers<[1], [0], [0], [1], [0, 0, 1, 1], [], []>, transpose_lhs_hint = false} : vector<4000x16xf32>, vector<16x64xf32>, vector<4000x64xf32> -> vector<4000x64xf32>
    %add3A = arith.addf %get3A_4, %dot_general3A_8 : vector<4000x64xf32>
    %max3A = arith.constant 0.000000e+00 : f32
    %max3A_9 = vector.broadcast %max3A : f32 to vector<4000x64xf32>
    %max3A_10 = arith.maximumf %add3A, %max3A_9 : vector<4000x64xf32>
    %get3A_11 = arith.constant 0 : index
    %get3A_12 = arith.constant 0 : index
    %get3A_13 = vector.load %arg4[%get3A_11, %get3A_12] : memref<64x64xf32, #tpu.memory_space<vmem>>, vector<64x64xf32>
    %dot_general3A_14 = arith.constant dense<0.000000e+00> : vector<4000x64xf32>
    %dot_general3A_15 = tpu.matmul %max3A_10, %get3A_13, %dot_general3A_14 {dimension_numbers = #tpu.dot_dimension_numbers<[1], [0], [0], [1], [0, 0, 1, 1], [], []>, transpose_lhs_hint = false} : vector<4000x64xf32>, vector<64x64xf32>, vector<4000x64xf32> -> vector<4000x64xf32>
    %get3A_16 = arith.constant 0 : index
    %get3A_17 = arith.constant 0 : index
    %get3A_18 = vector.load %arg5[%get3A_16, %get3A_17] : memref<1x64xf32, #tpu.memory_space<vmem>>, vector<1x64xf32>
    %add3A_19 = vector.broadcast %get3A_18 : vector<1x64xf32> to vector<4000x64xf32>
    %add3A_20 = arith.addf %dot_general3A_15, %add3A_19 : vector<4000x64xf32>
    %max3A_21 = arith.constant 0.000000e+00 : f32
    %max3A_22 = vector.broadcast %max3A_21 : f32 to vector<4000x64xf32>
    %max3A_23 = arith.maximumf %add3A_20, %max3A_22 : vector<4000x64xf32>
    %get3A_24 = arith.constant 0 : index
    %get3A_25 = arith.constant 0 : index
    %get3A_26 = vector.load %arg6[%get3A_24, %get3A_25] : memref<64x1xf32, #tpu.memory_space<vmem>>, vector<64x1xf32>
    %dot_general3A_27 = arith.constant dense<0.000000e+00> : vector<4000x1xf32>
    %dot_general3A_28 = tpu.matmul %max3A_23, %get3A_26, %dot_general3A_27 {dimension_numbers = #tpu.dot_dimension_numbers<[1], [0], [0], [1], [0, 0, 1, 1], [], []>, transpose_lhs_hint = false} : vector<4000x64xf32>, vector<64x1xf32>, vector<4000x1xf32> -> vector<4000x1xf32>
    %get3A_29 = arith.constant 0 : index
    %get3A_30 = arith.constant 0 : index
    %get3A_31 = vector.load %arg7[%get3A_29, %get3A_30] : memref<1x1xf32, #tpu.memory_space<vmem>>, vector<1x1xf32>
    %get3A_32 = vector.extract %get3A_31[0, 0] : f32 from vector<1x1xf32>
    %add3A_33 = vector.broadcast %get3A_32 : f32 to vector<4000x1xf32>
    %add3A_34 = arith.addf %dot_general3A_28, %add3A_33 : vector<4000x1xf32>
    %logistic3A = arith.negf %add3A_34 : vector<4000x1xf32>
    %logistic3A_35 = math.exp %logistic3A : vector<4000x1xf32>
    %logistic3A_36 = arith.constant 1.000000e+00 : f32
    %logistic3A_37 = vector.broadcast %logistic3A_36 : f32 to vector<4000x1xf32>
    %logistic3A_38 = arith.addf %logistic3A_37, %logistic3A_35 : vector<4000x1xf32>
    %logistic3A_39 = arith.divf %logistic3A_37, %logistic3A_38 : vector<4000x1xf32>
    %get3A_40 = arith.constant 0 : index
    %get3A_41 = arith.constant 0 : index
    %get3A_42 = vector.load %arg8[%get3A_40, %get3A_41] : memref<64x16xf32, #tpu.memory_space<vmem>>, vector<64x16xf32>
    %dot_general3A_43 = arith.constant dense<0.000000e+00> : vector<4000x16xf32>
    %dot_general3A_44 = tpu.matmul %max3A_23, %get3A_42, %dot_general3A_43 {dimension_numbers = #tpu.dot_dimension_numbers<[1], [0], [0], [1], [0, 0, 1, 1], [], []>, transpose_lhs_hint = false} : vector<4000x64xf32>, vector<64x16xf32>, vector<4000x16xf32> -> vector<4000x16xf32>
    %get3A_45 = arith.constant 0 : index
    %get3A_46 = arith.constant 0 : index
    %get3A_47 = vector.load %arg9[%get3A_45, %get3A_46] : memref<1x16xf32, #tpu.memory_space<vmem>>, vector<1x16xf32>
    %add3A_48 = vector.broadcast %get3A_47 : vector<1x16xf32> to vector<4000x16xf32>
    %add3A_49 = arith.addf %dot_general3A_44, %add3A_48 : vector<4000x16xf32>
    %max3A_50 = arith.constant 0.000000e+00 : f32
    %max3A_51 = vector.broadcast %max3A_50 : f32 to vector<4000x16xf32>
    %max3A_52 = arith.maximumf %add3A_49, %max3A_51 : vector<4000x16xf32>
    %get3A_53 = arith.constant 0 : index
    %get3A_54 = arith.constant 0 : index
    %get3A_55 = vector.load %arg10[%get3A_53, %get3A_54] : memref<16x16xf32, #tpu.memory_space<vmem>>, vector<16x16xf32>
    %dot_general3A_56 = arith.constant dense<0.000000e+00> : vector<4000x16xf32>
    %dot_general3A_57 = tpu.matmul %max3A_52, %get3A_55, %dot_general3A_56 {dimension_numbers = #tpu.dot_dimension_numbers<[1], [0], [0], [1], [0, 0, 1, 1], [], []>, transpose_lhs_hint = false} : vector<4000x16xf32>, vector<16x16xf32>, vector<4000x16xf32> -> vector<4000x16xf32>
    %get3A_58 = arith.constant 0 : index
    %get3A_59 = arith.constant 0 : index
    %get3A_60 = vector.load %arg11[%get3A_58, %get3A_59] : memref<1x16xf32, #tpu.memory_space<vmem>>, vector<1x16xf32>
    %add3A_61 = vector.broadcast %get3A_60 : vector<1x16xf32> to vector<4000x16xf32>
    %add3A_62 = arith.addf %dot_general3A_57, %add3A_61 : vector<4000x16xf32>
    %add3A_63 = arith.addf %get3A_1, %add3A_62 : vector<4000x16xf32>
    %max3A_64 = arith.constant 0.000000e+00 : f32
    %max3A_65 = vector.broadcast %max3A_64 : f32 to vector<4000x16xf32>
    %max3A_66 = arith.maximumf %add3A_63, %max3A_65 : vector<4000x16xf32>
    %swap3A = arith.constant 0 : index
    %swap3A_67 = arith.constant 0 : index
    %swap3A_68 = vector.load %arg12[%swap3A, %swap3A_67] : memref<4000x16xf32, #tpu.memory_space<vmem>>, vector<4000x16xf32>
    tpu.vector_store %arg12[%swap3A, %swap3A_67], %max3A_66 {strides = array<i32>} : memref<4000x16xf32, #tpu.memory_space<vmem>>, vector<4000x16xf32>,
    %mul3A = vector.broadcast %logistic3A_39 : vector<4000x1xf32> to vector<4000x64xf32>
    %mul3A_69 = arith.mulf %mul3A, %max3A_23 : vector<4000x64xf32>
    %swap3A_70 = arith.constant 0 : index
    %swap3A_71 = arith.constant 0 : index
    %swap3A_72 = vector.load %arg13[%swap3A_70, %swap3A_71] : memref<4000x64xf32, #tpu.memory_space<vmem>>, vector<4000x64xf32>
    tpu.vector_store %arg13[%swap3A_70, %swap3A_71], %mul3A_69 {strides = array<i32>} : memref<4000x64xf32, #tpu.memory_space<vmem>>, vector<4000x64xf32>,
    return
  }
  func.func @transform_0(%arg0: i32) -> (i32, i32) {
    %c0_i32 = arith.constant 0 : i32
    %c0_i32_0 = arith.constant 0 : i32
    return %arg0, %c0_i32 : i32, i32
  }
  func.func @transform_1(%arg0: i32) -> (i32, i32) {
    %c0_i32 = arith.constant 0 : i32
    %c0_i32_0 = arith.constant 0 : i32
    return %arg0, %c0_i32 : i32, i32
  }
  func.func @transform_2(%arg0: i32) -> (i32, i32) {
    %c0_i32 = arith.constant 0 : i32
    %c0_i32_0 = arith.constant 0 : i32
    %c0_i32_1 = arith.constant 0 : i32
    return %c0_i32, %c0_i32_0 : i32, i32
  }
  func.func @transform_3(%arg0: i32) -> (i32, i32) {
    %c0_i32 = arith.constant 0 : i32
    %c0_i32_0 = arith.constant 0 : i32
    %c0_i32_1 = arith.constant 0 : i32
    return %c0_i32, %c0_i32_0 : i32, i32
  }
  func.func @transform_4(%arg0: i32) -> (i32, i32) {
    %c0_i32 = arith.constant 0 : i32
    %c0_i32_0 = arith.constant 0 : i32
    %c0_i32_1 = arith.constant 0 : i32
    return %c0_i32, %c0_i32_0 : i32, i32
  }
  func.func @transform_5(%arg0: i32) -> (i32, i32) {
    %c0_i32 = arith.constant 0 : i32
    %c0_i32_0 = arith.constant 0 : i32
    %c0_i32_1 = arith.constant 0 : i32
    return %c0_i32, %c0_i32_0 : i32, i32
  }
  func.func @transform_6(%arg0: i32) -> (i32, i32) {
    %c0_i32 = arith.constant 0 : i32
    %c0_i32_0 = arith.constant 0 : i32
    %c0_i32_1 = arith.constant 0 : i32
    return %c0_i32, %c0_i32_0 : i32, i32
  }
  func.func @transform_7(%arg0: i32) -> (i32, i32) {
    %c0_i32 = arith.constant 0 : i32
    %c0_i32_0 = arith.constant 0 : i32
    %c0_i32_1 = arith.constant 0 : i32
    return %c0_i32, %c0_i32_0 : i32, i32
  }
  func.func @transform_8(%arg0: i32) -> (i32, i32) {
    %c0_i32 = arith.constant 0 : i32
    %c0_i32_0 = arith.constant 0 : i32
    %c0_i32_1 = arith.constant 0 : i32
    return %c0_i32, %c0_i32_0 : i32, i32
  }
  func.func @transform_9(%arg0: i32) -> (i32, i32) {
    %c0_i32 = arith.constant 0 : i32
    %c0_i32_0 = arith.constant 0 : i32
    %c0_i32_1 = arith.constant 0 : i32
    return %c0_i32, %c0_i32_0 : i32, i32
  }
  func.func @transform_10(%arg0: i32) -> (i32, i32) {
    %c0_i32 = arith.constant 0 : i32
    %c0_i32_0 = arith.constant 0 : i32
    %c0_i32_1 = arith.constant 0 : i32
    return %c0_i32, %c0_i32_0 : i32, i32
  }
  func.func @transform_11(%arg0: i32) -> (i32, i32) {
    %c0_i32 = arith.constant 0 : i32
    %c0_i32_0 = arith.constant 0 : i32
    return %arg0, %c0_i32 : i32, i32
  }
  func.func @transform_12(%arg0: i32) -> (i32, i32) {
    %c0_i32 = arith.constant 0 : i32
    %c0_i32_0 = arith.constant 0 : i32
    return %arg0, %c0_i32 : i32, i32
  }
}

module attributes {stable_mosaic.version = 14 : i64} {
  func.func @_node_body(%arg0: i32, %arg1: memref<1000x128xf32, #tpu.memory_space<vmem>>, %arg2: memref<2x1000x64xf32, #tpu.memory_space<vmem>>, %arg3: memref<1000x64xf32, #tpu.memory_space<vmem>>, %arg4: memref<64x64xf32, #tpu.memory_space<vmem>>, %arg5: memref<128x128xf32, #tpu.memory_space<vmem>>, %arg6: memref<64x128xf32, #tpu.memory_space<vmem>>, %arg7: memref<64x128xf32, #tpu.memory_space<vmem>>, %arg8: memref<1x128xf32, #tpu.memory_space<vmem>>, %arg9: memref<128x128xf32, #tpu.memory_space<vmem>>, %arg10: memref<1x128xf32, #tpu.memory_space<vmem>>, %arg11: memref<128x1xf32, #tpu.memory_space<vmem>>, %arg12: memref<1x1xf32, #tpu.memory_space<vmem>>, %arg13: memref<64x64xf32, #tpu.memory_space<vmem>>, %arg14: memref<128x64xf32, #tpu.memory_space<vmem>>, %arg15: memref<1x64xf32, #tpu.memory_space<vmem>>, %arg16: memref<64x64xf32, #tpu.memory_space<vmem>>, %arg17: memref<1x64xf32, #tpu.memory_space<vmem>>, %arg18: memref<1000x128xf32, #tpu.memory_space<vmem>>, %arg19: memref<64x64xf32, #tpu.memory_space<vmem>>, %arg20: memref<64x128xf32, #tpu.memory_space<vmem>>) attributes {dimension_semantics = [#tpu.dimension_semantics<arbitrary>], iteration_bounds = array<i64: 10>, scalar_prefetch = 0 : i64, scratch_operands = 1 : i64, tpu.core_type = #tpu.core_type<tc>, window_params = [{transform_indices = @transform_0, window_bounds = array<i64: 1000, 128>}, {transform_indices = @transform_1, window_bounds = array<i64: 2, 1000, 64>}, {transform_indices = @transform_2, window_bounds = array<i64: 1000, 64>}, {pipeline_mode = #tpu.pipeline_mode<synchronous>, transform_indices = @transform_3, window_bounds = array<i64: 64, 64>}, {pipeline_mode = #tpu.pipeline_mode<synchronous>, transform_indices = @transform_4, window_bounds = array<i64: 128, 128>}, {pipeline_mode = #tpu.pipeline_mode<synchronous>, transform_indices = @transform_5, window_bounds = array<i64: 64, 128>}, {pipeline_mode = #tpu.pipeline_mode<synchronous>, transform_indices = @transform_6, window_bounds = array<i64: 64, 128>}, {pipeline_mode = #tpu.pipeline_mode<synchronous>, transform_indices = @transform_7, window_bounds = array<i64: 1, 128>}, {pipeline_mode = #tpu.pipeline_mode<synchronous>, transform_indices = @transform_8, window_bounds = array<i64: 128, 128>}, {pipeline_mode = #tpu.pipeline_mode<synchronous>, transform_indices = @transform_9, window_bounds = array<i64: 1, 128>}, {pipeline_mode = #tpu.pipeline_mode<synchronous>, transform_indices = @transform_10, window_bounds = array<i64: 128, 1>}, {pipeline_mode = #tpu.pipeline_mode<synchronous>, transform_indices = @transform_11, window_bounds = array<i64: 1, 1>}, {pipeline_mode = #tpu.pipeline_mode<synchronous>, transform_indices = @transform_12, window_bounds = array<i64: 64, 64>}, {pipeline_mode = #tpu.pipeline_mode<synchronous>, transform_indices = @transform_13, window_bounds = array<i64: 128, 64>}, {pipeline_mode = #tpu.pipeline_mode<synchronous>, transform_indices = @transform_14, window_bounds = array<i64: 1, 64>}, {pipeline_mode = #tpu.pipeline_mode<synchronous>, transform_indices = @transform_15, window_bounds = array<i64: 64, 64>}, {pipeline_mode = #tpu.pipeline_mode<synchronous>, transform_indices = @transform_16, window_bounds = array<i64: 1, 64>}, {transform_indices = @transform_17, window_bounds = array<i64: 1000, 128>}, {pipeline_mode = #tpu.pipeline_mode<synchronous>, transform_indices = @transform_18, window_bounds = array<i64: 64, 64>}]} {
    %eq3A = arith.constant 0 : i32
    %eq3A_0 = arith.cmpi eq, %arg0, %eq3A : i32
    %convert_element_type3A = arith.extui %eq3A_0 : i1 to i32
    %cond3A = arith.constant 0 : i32
    %cond3A_1 = arith.cmpi ne, %convert_element_type3A, %cond3A : i32
    scf.if %cond3A_1 {
      %broadcast_in_dim3A = arith.constant 0.000000e+00 : f32
      %broadcast_in_dim3A_87 = vector.broadcast %broadcast_in_dim3A : f32 to vector<64x128xf32>
      %swap3A_88 = arith.constant 0 : index
      %swap3A_89 = arith.constant 0 : index
      %swap3A_90 = vector.load %arg20[%swap3A_88, %swap3A_89] : memref<64x128xf32, #tpu.memory_space<vmem>>, vector<64x128xf32>
      tpu.vector_store %arg20[%swap3A_88, %swap3A_89], %broadcast_in_dim3A_87 {strides = array<i32>} : memref<64x128xf32, #tpu.memory_space<vmem>>, vector<64x128xf32>,
    } else {
    }
    %get3A = arith.constant 0 : index
    %get3A_2 = arith.constant 0 : index
    %get3A_3 = vector.load %arg1[%get3A, %get3A_2] : memref<1000x128xf32, #tpu.memory_space<vmem>>, vector<1000x128xf32>
    %get3A_4 = arith.constant 0 : index
    %get3A_5 = arith.constant 0 : index
    %get3A_6 = arith.constant 0 : index
    %get3A_7 = vector.load %arg2[%get3A_4, %get3A_5, %get3A_6] : memref<2x1000x64xf32, #tpu.memory_space<vmem>>, vector<1x1000x64xf32>
    %get3A_8 = vector.shape_cast %get3A_7 : vector<1x1000x64xf32> to vector<1000x64xf32>
    %get3A_9 = arith.constant 1 : index
    %get3A_10 = arith.constant 0 : index
    %get3A_11 = arith.constant 0 : index
    %get3A_12 = vector.load %arg2[%get3A_9, %get3A_10, %get3A_11] : memref<2x1000x64xf32, #tpu.memory_space<vmem>>, vector<1x1000x64xf32>
    %get3A_13 = vector.shape_cast %get3A_12 : vector<1x1000x64xf32> to vector<1000x64xf32>
    %add3A = arith.addf %get3A_8, %get3A_13 : vector<1000x64xf32>
    %get3A_14 = arith.constant 0 : index
    %get3A_15 = arith.constant 0 : index
    %get3A_16 = vector.load %arg3[%get3A_14, %get3A_15] : memref<1000x64xf32, #tpu.memory_space<vmem>>, vector<1000x64xf32>
    %get3A_17 = arith.constant 0 : index
    %get3A_18 = arith.constant 0 : index
    %get3A_19 = vector.load %arg4[%get3A_17, %get3A_18] : memref<64x64xf32, #tpu.memory_space<vmem>>, vector<64x64xf32>
    %get3A_20 = arith.constant 0 : index
    %get3A_21 = arith.constant 0 : index
    %get3A_22 = vector.load %arg7[%get3A_20, %get3A_21] : memref<64x128xf32, #tpu.memory_space<vmem>>, vector<64x128xf32>
    %dot_general3A = arith.constant dense<0.000000e+00> : vector<64x128xf32>
    %dot_general3A_23 = tpu.matmul %get3A_19, %get3A_22, %dot_general3A {dimension_numbers = #tpu.dot_dimension_numbers<[1], [0], [0], [1], [0, 0, 1, 1], [], []>, transpose_lhs_hint = false} : vector<64x64xf32>, vector<64x128xf32>, vector<64x128xf32> -> vector<64x128xf32>
    %get3A_24 = arith.constant 0 : index
    %get3A_25 = arith.constant 0 : index
    %get3A_26 = vector.load %arg5[%get3A_24, %get3A_25] : memref<128x128xf32, #tpu.memory_space<vmem>>, vector<128x128xf32>
    %dot_general3A_27 = arith.constant dense<0.000000e+00> : vector<1000x128xf32>
    %dot_general3A_28 = tpu.matmul %get3A_3, %get3A_26, %dot_general3A_27 {dimension_numbers = #tpu.dot_dimension_numbers<[1], [0], [0], [1], [0, 0, 1, 1], [], []>, transpose_lhs_hint = false} : vector<1000x128xf32>, vector<128x128xf32>, vector<1000x128xf32> -> vector<1000x128xf32>
    %get3A_29 = arith.constant 0 : index
    %get3A_30 = arith.constant 0 : index
    %get3A_31 = vector.load %arg6[%get3A_29, %get3A_30] : memref<64x128xf32, #tpu.memory_space<vmem>>, vector<64x128xf32>
    %dot_general3A_32 = arith.constant dense<0.000000e+00> : vector<1000x128xf32>
    %dot_general3A_33 = tpu.matmul %add3A, %get3A_31, %dot_general3A_32 {dimension_numbers = #tpu.dot_dimension_numbers<[1], [0], [0], [1], [0, 0, 1, 1], [], []>, transpose_lhs_hint = false} : vector<1000x64xf32>, vector<64x128xf32>, vector<1000x128xf32> -> vector<1000x128xf32>
    %add3A_34 = arith.addf %dot_general3A_28, %dot_general3A_33 : vector<1000x128xf32>
    %dot_general3A_35 = arith.constant dense<0.000000e+00> : vector<1000x128xf32>
    %dot_general3A_36 = tpu.matmul %get3A_16, %dot_general3A_23, %dot_general3A_35 {dimension_numbers = #tpu.dot_dimension_numbers<[1], [0], [0], [1], [0, 0, 1, 1], [], []>, precision = #tpu.contract_precision<fp32>, transpose_lhs_hint = false} : vector<1000x64xf32>, vector<64x128xf32>, vector<1000x128xf32> -> vector<1000x128xf32>
    %add3A_37 = arith.addf %add3A_34, %dot_general3A_36 : vector<1000x128xf32>
    %get3A_38 = arith.constant 0 : index
    %get3A_39 = arith.constant 0 : index
    %get3A_40 = vector.load %arg8[%get3A_38, %get3A_39] : memref<1x128xf32, #tpu.memory_space<vmem>>, vector<1x128xf32>
    %add3A_41 = vector.broadcast %get3A_40 : vector<1x128xf32> to vector<1000x128xf32>
    %add3A_42 = arith.addf %add3A_37, %add3A_41 : vector<1000x128xf32>
    %max3A = arith.constant 0.000000e+00 : f32
    %max3A_43 = vector.broadcast %max3A : f32 to vector<1000x128xf32>
    %max3A_44 = arith.maximumf %add3A_42, %max3A_43 : vector<1000x128xf32>
    %get3A_45 = arith.constant 0 : index
    %get3A_46 = arith.constant 0 : index
    %get3A_47 = vector.load %arg9[%get3A_45, %get3A_46] : memref<128x128xf32, #tpu.memory_space<vmem>>, vector<128x128xf32>
    %dot_general3A_48 = arith.constant dense<0.000000e+00> : vector<1000x128xf32>
    %dot_general3A_49 = tpu.matmul %max3A_44, %get3A_47, %dot_general3A_48 {dimension_numbers = #tpu.dot_dimension_numbers<[1], [0], [0], [1], [0, 0, 1, 1], [], []>, transpose_lhs_hint = false} : vector<1000x128xf32>, vector<128x128xf32>, vector<1000x128xf32> -> vector<1000x128xf32>
    %get3A_50 = arith.constant 0 : index
    %get3A_51 = arith.constant 0 : index
    %get3A_52 = vector.load %arg10[%get3A_50, %get3A_51] : memref<1x128xf32, #tpu.memory_space<vmem>>, vector<1x128xf32>
    %add3A_53 = vector.broadcast %get3A_52 : vector<1x128xf32> to vector<1000x128xf32>
    %add3A_54 = arith.addf %dot_general3A_49, %add3A_53 : vector<1000x128xf32>
    %add3A_55 = arith.addf %get3A_3, %add3A_54 : vector<1000x128xf32>
    %max3A_56 = arith.constant 0.000000e+00 : f32
    %max3A_57 = vector.broadcast %max3A_56 : f32 to vector<1000x128xf32>
    %max3A_58 = arith.maximumf %add3A_55, %max3A_57 : vector<1000x128xf32>
    %swap3A = arith.constant 0 : index
    %swap3A_59 = arith.constant 0 : index
    %swap3A_60 = vector.load %arg18[%swap3A, %swap3A_59] : memref<1000x128xf32, #tpu.memory_space<vmem>>, vector<1000x128xf32>
    tpu.vector_store %arg18[%swap3A, %swap3A_59], %max3A_58 {strides = array<i32>} : memref<1000x128xf32, #tpu.memory_space<vmem>>, vector<1000x128xf32>,
    %get3A_61 = arith.constant 0 : index
    %get3A_62 = arith.constant 0 : index
    %get3A_63 = vector.load %arg11[%get3A_61, %get3A_62] : memref<128x1xf32, #tpu.memory_space<vmem>>, vector<128x1xf32>
    %dot_general3A_64 = arith.constant dense<0.000000e+00> : vector<1000x1xf32>
    %dot_general3A_65 = tpu.matmul %max3A_58, %get3A_63, %dot_general3A_64 {dimension_numbers = #tpu.dot_dimension_numbers<[1], [0], [0], [1], [0, 0, 1, 1], [], []>, transpose_lhs_hint = false} : vector<1000x128xf32>, vector<128x1xf32>, vector<1000x1xf32> -> vector<1000x1xf32>
    %get3A_66 = arith.constant 0 : index
    %get3A_67 = arith.constant 0 : index
    %get3A_68 = vector.load %arg12[%get3A_66, %get3A_67] : memref<1x1xf32, #tpu.memory_space<vmem>>, vector<1x1xf32>
    %get3A_69 = vector.extract %get3A_68[0, 0] : f32 from vector<1x1xf32>
    %add3A_70 = vector.broadcast %get3A_69 : f32 to vector<1000x1xf32>
    %add3A_71 = arith.addf %dot_general3A_65, %add3A_70 : vector<1000x1xf32>
    %get3A_72 = arith.constant 0 : index
    %get3A_73 = arith.constant 0 : index
    %get3A_74 = vector.load %arg20[%get3A_72, %get3A_73] : memref<64x128xf32, #tpu.memory_space<vmem>>, vector<64x128xf32>
    %mul3A = vector.broadcast %add3A_71 : vector<1000x1xf32> to vector<1000x128xf32>
    %mul3A_75 = arith.mulf %mul3A, %max3A_58 : vector<1000x128xf32>
    %dot_general3A_76 = arith.constant dense<0.000000e+00> : vector<64x128xf32>
    %dot_general3A_77 = tpu.matmul %get3A_16, %mul3A_75, %dot_general3A_76 {dimension_numbers = #tpu.dot_dimension_numbers<[0], [0], [1], [1], [0, 1, 1, 1], [], []>, precision = #tpu.contract_precision<fp32>, transpose_lhs_hint = false} : vector<1000x64xf32>, vector<1000x128xf32>, vector<64x128xf32> -> vector<64x128xf32>
    %add3A_78 = arith.addf %get3A_74, %dot_general3A_77 : vector<64x128xf32>
    %swap3A_79 = arith.constant 0 : index
    %swap3A_80 = arith.constant 0 : index
    %swap3A_81 = vector.load %arg20[%swap3A_79, %swap3A_80] : memref<64x128xf32, #tpu.memory_space<vmem>>, vector<64x128xf32>
    tpu.vector_store %arg20[%swap3A_79, %swap3A_80], %add3A_78 {strides = array<i32>} : memref<64x128xf32, #tpu.memory_space<vmem>>, vector<64x128xf32>,
    %eq3A_82 = arith.constant 9 : i32
    %eq3A_83 = arith.cmpi eq, %arg0, %eq3A_82 : i32
    %convert_element_type3A_84 = arith.extui %eq3A_83 : i1 to i32
    %cond3A_85 = arith.constant 0 : i32
    %cond3A_86 = arith.cmpi ne, %convert_element_type3A_84, %cond3A_85 : i32
    scf.if %cond3A_86 {
      %get3A_87 = arith.constant 0 : index
      %get3A_88 = arith.constant 0 : index
      %get3A_89 = vector.load %arg20[%get3A_87, %get3A_88] : memref<64x128xf32, #tpu.memory_space<vmem>>, vector<64x128xf32>
      %get3A_90 = arith.constant 0 : index
      %get3A_91 = arith.constant 0 : index
      %get3A_92 = vector.load %arg13[%get3A_90, %get3A_91] : memref<64x64xf32, #tpu.memory_space<vmem>>, vector<64x64xf32>
      %dot_general3A_93 = arith.constant dense<0.000000e+00> : vector<64x64xf32>
      %dot_general3A_94 = tpu.matmul %get3A_19, %get3A_92, %dot_general3A_93 {dimension_numbers = #tpu.dot_dimension_numbers<[1], [0], [0], [1], [0, 0, 1, 1], [], []>, transpose_lhs_hint = false} : vector<64x64xf32>, vector<64x64xf32>, vector<64x64xf32> -> vector<64x64xf32>
      %get3A_95 = arith.constant 0 : index
      %get3A_96 = arith.constant 0 : index
      %get3A_97 = vector.load %arg14[%get3A_95, %get3A_96] : memref<128x64xf32, #tpu.memory_space<vmem>>, vector<128x64xf32>
      %dot_general3A_98 = arith.constant dense<0.000000e+00> : vector<64x64xf32>
      %dot_general3A_99 = tpu.matmul %get3A_89, %get3A_97, %dot_general3A_98 {dimension_numbers = #tpu.dot_dimension_numbers<[1], [0], [0], [1], [0, 0, 1, 1], [], []>, transpose_lhs_hint = false} : vector<64x128xf32>, vector<128x64xf32>, vector<64x64xf32> -> vector<64x64xf32>
      %add3A_100 = arith.addf %dot_general3A_94, %dot_general3A_99 : vector<64x64xf32>
      %get3A_101 = arith.constant 0 : index
      %get3A_102 = arith.constant 0 : index
      %get3A_103 = vector.load %arg15[%get3A_101, %get3A_102] : memref<1x64xf32, #tpu.memory_space<vmem>>, vector<1x64xf32>
      %add3A_104 = vector.broadcast %get3A_103 : vector<1x64xf32> to vector<64x64xf32>
      %add3A_105 = arith.addf %add3A_100, %add3A_104 : vector<64x64xf32>
      %max3A_106 = arith.constant 0.000000e+00 : f32
      %max3A_107 = vector.broadcast %max3A_106 : f32 to vector<64x64xf32>
      %max3A_108 = arith.maximumf %add3A_105, %max3A_107 : vector<64x64xf32>
      %get3A_109 = arith.constant 0 : index
      %get3A_110 = arith.constant 0 : index
      %get3A_111 = vector.load %arg16[%get3A_109, %get3A_110] : memref<64x64xf32, #tpu.memory_space<vmem>>, vector<64x64xf32>
      %dot_general3A_112 = arith.constant dense<0.000000e+00> : vector<64x64xf32>
      %dot_general3A_113 = tpu.matmul %max3A_108, %get3A_111, %dot_general3A_112 {dimension_numbers = #tpu.dot_dimension_numbers<[1], [0], [0], [1], [0, 0, 1, 1], [], []>, transpose_lhs_hint = false} : vector<64x64xf32>, vector<64x64xf32>, vector<64x64xf32> -> vector<64x64xf32>
      %get3A_114 = arith.constant 0 : index
      %get3A_115 = arith.constant 0 : index
      %get3A_116 = vector.load %arg17[%get3A_114, %get3A_115] : memref<1x64xf32, #tpu.memory_space<vmem>>, vector<1x64xf32>
      %add3A_117 = vector.broadcast %get3A_116 : vector<1x64xf32> to vector<64x64xf32>
      %add3A_118 = arith.addf %dot_general3A_113, %add3A_117 : vector<64x64xf32>
      %add3A_119 = arith.addf %get3A_19, %add3A_118 : vector<64x64xf32>
      %max3A_120 = arith.constant 0.000000e+00 : f32
      %max3A_121 = vector.broadcast %max3A_120 : f32 to vector<64x64xf32>
      %max3A_122 = arith.maximumf %add3A_119, %max3A_121 : vector<64x64xf32>
      %swap3A_123 = arith.constant 0 : index
      %swap3A_124 = arith.constant 0 : index
      %swap3A_125 = vector.load %arg19[%swap3A_123, %swap3A_124] : memref<64x64xf32, #tpu.memory_space<vmem>>, vector<64x64xf32>
      tpu.vector_store %arg19[%swap3A_123, %swap3A_124], %max3A_122 {strides = array<i32>} : memref<64x64xf32, #tpu.memory_space<vmem>>, vector<64x64xf32>,
    } else {
    }
    return
  }
  func.func @transform_0(%arg0: i32) -> (i32, i32) {
    %c0_i32 = arith.constant 0 : i32
    %c0_i32_0 = arith.constant 0 : i32
    return %arg0, %c0_i32 : i32, i32
  }
  func.func @transform_1(%arg0: i32) -> (i32, i32, i32) {
    %c0_i32 = arith.constant 0 : i32
    %c0_i32_0 = arith.constant 0 : i32
    %c0_i32_1 = arith.constant 0 : i32
    return %c0_i32, %arg0, %c0_i32_0 : i32, i32, i32
  }
  func.func @transform_2(%arg0: i32) -> (i32, i32) {
    %c0_i32 = arith.constant 0 : i32
    %c0_i32_0 = arith.constant 0 : i32
    return %arg0, %c0_i32 : i32, i32
  }
  func.func @transform_3(%arg0: i32) -> (i32, i32) {
    %c0_i32 = arith.constant 0 : i32
    %c0_i32_0 = arith.constant 0 : i32
    %c0_i32_1 = arith.constant 0 : i32
    return %c0_i32, %c0_i32_0 : i32, i32
  }
  func.func @transform_4(%arg0: i32) -> (i32, i32) {
    %c0_i32 = arith.constant 0 : i32
    %c0_i32_0 = arith.constant 0 : i32
    %c0_i32_1 = arith.constant 0 : i32
    return %c0_i32, %c0_i32_0 : i32, i32
  }
  func.func @transform_5(%arg0: i32) -> (i32, i32) {
    %c0_i32 = arith.constant 0 : i32
    %c0_i32_0 = arith.constant 0 : i32
    %c0_i32_1 = arith.constant 0 : i32
    return %c0_i32, %c0_i32_0 : i32, i32
  }
  func.func @transform_6(%arg0: i32) -> (i32, i32) {
    %c0_i32 = arith.constant 0 : i32
    %c0_i32_0 = arith.constant 0 : i32
    %c0_i32_1 = arith.constant 0 : i32
    return %c0_i32, %c0_i32_0 : i32, i32
  }
  func.func @transform_7(%arg0: i32) -> (i32, i32) {
    %c0_i32 = arith.constant 0 : i32
    %c0_i32_0 = arith.constant 0 : i32
    %c0_i32_1 = arith.constant 0 : i32
    return %c0_i32, %c0_i32_0 : i32, i32
  }
  func.func @transform_8(%arg0: i32) -> (i32, i32) {
    %c0_i32 = arith.constant 0 : i32
    %c0_i32_0 = arith.constant 0 : i32
    %c0_i32_1 = arith.constant 0 : i32
    return %c0_i32, %c0_i32_0 : i32, i32
  }
  func.func @transform_9(%arg0: i32) -> (i32, i32) {
    %c0_i32 = arith.constant 0 : i32
    %c0_i32_0 = arith.constant 0 : i32
    %c0_i32_1 = arith.constant 0 : i32
    return %c0_i32, %c0_i32_0 : i32, i32
  }
  func.func @transform_10(%arg0: i32) -> (i32, i32) {
    %c0_i32 = arith.constant 0 : i32
    %c0_i32_0 = arith.constant 0 : i32
    %c0_i32_1 = arith.constant 0 : i32
    return %c0_i32, %c0_i32_0 : i32, i32
  }
  func.func @transform_11(%arg0: i32) -> (i32, i32) {
    %c0_i32 = arith.constant 0 : i32
    %c0_i32_0 = arith.constant 0 : i32
    %c0_i32_1 = arith.constant 0 : i32
    return %c0_i32, %c0_i32_0 : i32, i32
  }
  func.func @transform_12(%arg0: i32) -> (i32, i32) {
    %c0_i32 = arith.constant 0 : i32
    %c0_i32_0 = arith.constant 0 : i32
    %c0_i32_1 = arith.constant 0 : i32
    return %c0_i32, %c0_i32_0 : i32, i32
  }
  func.func @transform_13(%arg0: i32) -> (i32, i32) {
    %c0_i32 = arith.constant 0 : i32
    %c0_i32_0 = arith.constant 0 : i32
    %c0_i32_1 = arith.constant 0 : i32
    return %c0_i32, %c0_i32_0 : i32, i32
  }
  func.func @transform_14(%arg0: i32) -> (i32, i32) {
    %c0_i32 = arith.constant 0 : i32
    %c0_i32_0 = arith.constant 0 : i32
    %c0_i32_1 = arith.constant 0 : i32
    return %c0_i32, %c0_i32_0 : i32, i32
  }
  func.func @transform_15(%arg0: i32) -> (i32, i32) {
    %c0_i32 = arith.constant 0 : i32
    %c0_i32_0 = arith.constant 0 : i32
    %c0_i32_1 = arith.constant 0 : i32
    return %c0_i32, %c0_i32_0 : i32, i32
  }
  func.func @transform_16(%arg0: i32) -> (i32, i32) {
    %c0_i32 = arith.constant 0 : i32
    %c0_i32_0 = arith.constant 0 : i32
    %c0_i32_1 = arith.constant 0 : i32
    return %c0_i32, %c0_i32_0 : i32, i32
  }
  func.func @transform_17(%arg0: i32) -> (i32, i32) {
    %c0_i32 = arith.constant 0 : i32
    %c0_i32_0 = arith.constant 0 : i32
    return %arg0, %c0_i32 : i32, i32
  }
  func.func @transform_18(%arg0: i32) -> (i32, i32) {
    %c0_i32 = arith.constant 0 : i32
    %c0_i32_0 = arith.constant 0 : i32
    %c0_i32_1 = arith.constant 0 : i32
    return %c0_i32, %c0_i32_0 : i32, i32
  }
}

</mosaic_0001>

<sc_bundles>
// kernel: kernel.10.cloned.1.call-start
scs
__scs_entry_jumppad:
0x0: {  	(pc) =	sbr.rel $0x88, $3  }
0x1: {  	(tag) =	ssettag $0x0;
	lr =	simm.s32 $0x1  }
0x2: {  	[smem:$0x3F88] =	sst lr;
	_ =	strace $0xD0000000  }
0x3: {  	_ = 	snop  }
0x4: {  	_ = 	snop  }
0x5: {  	_ = 	snop  }
0x6: {  	_ = 	snop  }
0x7: {  	_ = 	snop  }
__scs_overlays_trampoline_lowered:
0x8: {  	[smem:$0x3F97] =	sst s0  }
0x9: {  	[smem:$0x3F98] =	sst s1  }
0xa: {  	[smem:$0x3F99] =	sst s2  }
0xb: {  	[smem:$0x3F9A] =	sst s3  }
0xc: {  	[smem:$0x3F9B] =	sst s4  }
0xd: {  	[smem:$0x3F9C] =	sst s5  }
0xe: {  	[smem:$0x3F9D] =	sst s6  }
0xf: {  	[smem:$0x3F9E] =	sst s7  }
0x10: {  	[smem:$0x3F9F] =	sst s8  }
0x11: {  	[smem:$0x3FA0] =	sst s9;
	s0 =	simm.s32 @!p0 $0x0  }
0x12: {  	s1 =	sld [smem:$0x3F86];
	s0 =	simm.s32 @p0 $0x1  }
0x13: {  	[smem:$0x3FA1] =	sst s0;
	s0 =	simm.s32 @!p1 $0x0  }
0x14: {  	s2 =	sld [smem:$0x3F85];
	s0 =	simm.s32 @p1 $0x1  }
0x15: {  	[smem:$0x3FA2] =	sst s0;
	s0 =	simm.s32 @!p2 $0x0  }
0x16: {  	s3 =	sld [smem:$0x3FDB];
	s0 =	simm.s32 @p2 $0x1  }
0x17: {  	s4 =	simm.s32 $0x1BF5;
	[smem:$0x3FA4] =	sst s0  }
0x18: {  	s0 =	sld [smem:$0x3F87];
	_ =	swait.ge [sflag:s4], $0x0  }
0x19: {  	s7 =	sld [smem:$0x3F88]  }
0x1a: {  	s8 =	sadd.s32 $0xFFFFE003, lr  }
0x1b: {  	s9 =	sadd.s32 $0xFFFFFEF7, lr;
	s5 =	simm.s32 $0xFFFFFFFF;
	p2 =	slt.u32 s8, $0xFFFFF086  }
0x1c: {  	p1 =	slt.u32 s9, $0xF7A;
	s5 =	simm.s32 @!p2 $0x0  }
0x1d: {  	s5 =	simm.s32 @p1 $0x1;
	p0 =	seq.s32 s7, s2  }
0x1e: {  	s7 =	smul.u32 @!p0 $0xF7A, s2;
	p2 =	seq.s32 @!p0 s5, $0x0  }
0x1f: {  	s9 =	smul.u32 $0xF7A, s1;
	s8 =	simm.s32 @!p0 $0x1BF5;
	p2 =	por !p2, p0  }
0x20: {  	[sflag:s8] =	ssyncset.s32 @!p0 $0xFFFFF086;
	s6 =	sadd.s32 @!p0 s3, s7;
	s7 =	simm.s32 @!p0 $0x108  }
0x21: {  	s3 =	sadd.s32 s3, s9;
	s6 =	sadd.s32 @!p0 $0x88, s6;
	s7 =	simm.s32 @p2 $0x1082  }
0x22: {  	[simem:s7], [sflag:s8] =	dma.local @!p0 [hbm:s6], $0xF7A  }
0x23: {  	s9 =	sor.u32 $0xD0000000, s2;
	s6 =	simm.s32 $0x108;
	_ =	swait.ge @!p0 [sflag:s8], $0x0  }
0x24: {  	s3 =	sadd.s32 $0x88, s3;
	s6 =	simm.s32 @!p1 $0x1082;
	[sflag:s4] =	ssyncset.s32 $0xFFFFF086  }
0x25: {  	[simem:s6], [sflag:s4] =	dma.local [hbm:s3], $0xF7A  }
0x26: {  	[smem:$0x3F88] =	sst s1;
	(tag) =	ssettag s2;
	_ =	strace s9  }
0x27: {  	s1 =	sld [smem:$0x3F98]  }
0x28: {  	s2 =	sld [smem:$0x3F99]  }
0x29: {  	s4 =	sld [smem:$0x3F9B]  }
0x2a: {  	p0 =	seq.s32 s5, $0x0;
	s5 =	sld [smem:$0x3F9C]  }
0x2b: {  	s6 =	sld [smem:$0x3F9D]  }
0x2c: {  	s7 =	sld [smem:$0x3F9E]  }
0x2d: {  	s3 =	simm.s32 $0x108;
	s8 =	sld [smem:$0x3F9F]  }
0x2e: {  	s3 =	simm.s32 @!p0 $0x1082;
	s9 =	sld [smem:$0x3FA0]  }
0x2f: {  	lr =	sadd.s32 s0, s3;
	s0 =	sld [smem:$0x3F97]  }
0x30: {  	s3 =	sld [smem:$0x3F9A]  }
0x31: {  	[smem:$0x3FA3] =	sst s10  }
0x32: {  	s10 =	sld [smem:$0x3FA1];
	_ =	sdelay $0x3  }
0x33: {  	p0 =	seq.s32 s10, $0x1;
	s10 =	sld [smem:$0x3FA3];
	_ =	sdelay $0x3  }
0x34: {  	[smem:$0x3FA3] =	sst s10  }
0x35: {  	s10 =	sld [smem:$0x3FA2];
	_ =	sdelay $0x3  }
0x36: {  	p1 =	seq.s32 s10, $0x1;
	s10 =	sld [smem:$0x3FA3];
	_ =	sdelay $0x3  }
0x37: {  	[smem:$0x3FA3] =	sst s10  }
0x38: {  	s10 =	sld [smem:$0x3FA4]  }
0x39: {  	_ = 	snop;
	(pc) =	sbr.ind lr, $3  }
0x3a: {  	_ = 	snop  }
0x3b: {  	_ = 	snop  }
0x3c: {  	p2 =	seq.s32 s10, $0x1;
	s10 =	sld [smem:$0x3FA3]  }
0x3d: {  	_ =	shalt  }
0x3e: {  	_ =	shalt  }
0x3f: {  	_ =	shalt  }
0x40: {  	_ =	shalt  }
0x41: {  	_ =	shalt  }
0x42: {  	_ =	shalt  }
0x43: {  	_ =	shalt  }
0x44: {  	_ =	shalt  }
0x45: {  	_ =	shalt  }
0x46: {  	_ =	shalt  }
0x47: {  	_ =	shalt  }
0x48: {  	_ =	shalt  }
0x49: {  	_ =	shalt  }
0x4a: {  	_ =	shalt  }
0x4b: {  	_ =	shalt  }
0x4c: {  	_ =	shalt  }
0x4d: {  	_ =	shalt  }
0x4e: {  	_ =	shalt  }
0x4f: {  	_ =	shalt  }
0x50: {  	_ =	shalt  }
0x51: {  	_ =	shalt  }
0x52: {  	_ =	shalt  }
0x53: {  	_ =	shalt  }
0x54: {  	_ =	shalt  }
0x55: {  	_ =	shalt  }
0x56: {  	_ =	shalt  }
0x57: {  	_ =	shalt  }
0x58: {  	_ =	shalt  }
0x59: {  	_ =	shalt  }
0x5a: {  	_ =	shalt  }
0x5b: {  	_ =	shalt  }
0x5c: {  	_ =	shalt  }
0x5d: {  	_ =	shalt  }
0x5e: {  	_ =	shalt  }
0x5f: {  	_ =	shalt  }
0x60: {  	_ =	shalt  }
0x61: {  	_ =	shalt  }
0x62: {  	_ =	shalt  }
0x63: {  	_ =	shalt  }
0x64: {  	_ =	shalt  }
0x65: {  	_ =	shalt  }
0x66: {  	_ =	shalt  }
0x67: {  	_ =	shalt  }
0x68: {  	_ =	shalt  }
0x69: {  	_ =	shalt  }
0x6a: {  	_ =	shalt  }
0x6b: {  	_ =	shalt  }
0x6c: {  	_ =	shalt  }
0x6d: {  	_ =	shalt  }
0x6e: {  	_ =	shalt  }
0x6f: {  	_ =	shalt  }
0x70: {  	_ =	shalt  }
0x71: {  	_ =	shalt  }
0x72: {  	_ =	shalt  }
0x73: {  	_ =	shalt  }
0x74: {  	_ =	shalt  }
0x75: {  	_ =	shalt  }
0x76: {  	_ =	shalt  }
0x77: {  	_ =	shalt  }
0x78: {  	_ =	shalt  }
0x79: {  	_ =	shalt  }
0x7a: {  	_ =	shalt  }
0x7b: {  	_ =	shalt  }
0x7c: {  	_ =	shalt  }
0x7d: {  	_ =	shalt  }
0x7e: {  	_ =	shalt  }
0x7f: {  	_ =	shalt  }
0x80: {  	_ =	shalt  }
0x81: {  	_ =	shalt  }
0x82: {  	_ =	shalt  }
0x83: {  	_ =	shalt  }
0x84: {  	_ =	shalt  }
0x85: {  	_ =	shalt  }
0x86: {  	_ =	shalt  }
0x87: {  	_ =	shalt  }
.Lfunc_end0:
.L_simem_size_0:
called_computation.1_lowered:
.L_overlay_start_0:
0x88: {  	s2 =	sld [smem:$0x3FD9]  }
0x89: {  	s3 =	sld [smem:$0x3FFE];
	_ =	sdelay $0x1  }
0x8a: {  	s1 =	srdreg.scid  }
0x8b: {  	s0 =	sand.u32 $0x1, s1  }
0x8c: {  	s16 =	sshll.u32 s0, $0xA;
	s2 =	sadd.s32 s3, s2  }
0x8d: {  	s2 =	sadd.s32 s2, s16  }
0x8e: {  	[smem:$0x3FAF] =	sst s2  }
0x8f: {  	_ = 	snop  }
0x90: {  	(tm) =	ssettm $0x1  }
0x91: {  	s17 =	sld [smem:$0x3FFB];
	_ =	sdelay $0x3  }
0x92: {  	_ =	strace s17  }
0x93: {  	s2 =	sld [smem:$0x3FFC];
	_ =	sdelay $0x3  }
0x94: {  	_ =	strace s2  }
0x95: {  	s2 =	sld [smem:$0x3FFD];
	_ =	sdelay $0x3  }
0x96: {  	_ =	strace s2  }
0x97: {  	_ =	strace $0x8FFFFFFF  }
0x98: {  	s18 =	sld [smem:$0x3FDB];
	_ =	sdelay $0x1  }
0x99: {  	s19 =	simm.s32 $_scs_section_size  }
0x9a: {  	s4 =	simm.s32 $_size__tile_overlayer_lowered;
	s5 =	simm.s32 $_tile_overlayer_lowered  }
0x9b: {  	s22 =	simm.s32 $0x1BFF;
	s21 =	sshll.u32 s5, $0x1;
	s2 =	sadd.s32 s19, s18  }
0x9c: {  	s6 =	simm.s32 $0x0;
	s20 =	sshll.u32 s4, $0x1;
	s4 =	sadd.s32 s21, s2  }
0x9d: {  	[timem:s6], [sflag:s22] =	dma.local [hbm:s4], s20  }
0x9e: {  	_ =	swait.ge [sflag:s22], s20  }
0x9f: {  	s3 =	ssub.s32 $0x0, s20;
	[sflag:s22] =	ssyncset.done $0x0  }
0xa0: {  	[sflag:s22] =	ssyncadd.s32 s3;
	_ =	sdelay $0x1  }
0xa1: {  	s23 =	simm.s32 $0x1B8B  }
0xa2: {  	_ =	swait.ge [sflag:s23], $0x1  }
0xa3: {  	[sflag:s23] =	ssyncset.done $0x0  }
0xa4: {  	s25 =	simm.s32 $0x1B8E;
	s24 =	sld [smem:$0x3FFE];
	[sflag:s23] =	ssyncadd.s32 $0xFFFFFFFF  }
0xa5: {  	s26 =	simm.s32 $execute0_lowered;
	[smem:$0x3FD2] =	sst s25  }
0xa6: {  	s4 =	sshll.u32 s26, $0x1;
	_ =	strace $0x80000049;
	[dreg:$0x1] =	wrdreg $0xFFFFFFFF  }
0xa7: {  	s28 =	simm.s32 $_size_execute0_lowered;
	s2 =	sadd.s32 s2, s4;
	[dreg:$0x0] =	wrdreg $0x0  }
0xa8: {  	s4 =	sshll.u32 s28, $0x1;
	[dreg:$0x2] =	wrdreg s2  }
0xa9: {  	[dreg:$0x3] =	wrdreg s4  }
0xaa: {  	[dreg:$0x4] =	wrdreg $0xC0  }
0xab: {  	_ =	task [dreg:s6], $0x5FFFF  }
0xac: {  	[dreg:$0x1] =	wrdreg $0xFFFFFFFF  }
0xad: {  	[dreg:$0x0] =	wrdreg $0x60  }
0xae: {  	[dreg:$0x2] =	wrdreg s24  }
0xaf: {  	[dreg:$0x3] =	wrdreg $0x0  }
0xb0: {  	[dreg:$0x4] =	wrdreg $0x9  }
0xb1: {  	_ =	task.clear_ibuf [dreg:s6], $0x5FFFF;
	_ =	strace $0x90000049  }
0xb2: {  	s29 =	simm.s32 $0x9;
	_ =	strace $0x8000004B  }
0xb3: {  	_ =	swait.ge [sflag:s29], $0x1  }
0xb4: {  	[sflag:s29] =	ssyncadd.s32 $0xFFFFFFFF  }
0xb5: {  	_ =	strace $0x9000004B  }
0xb6: {  	_ =	sfence  }
0xb7: {  	s30 =	sld [smem:$0x0];
	_ =	sdelay $0x2  }
0xb8: {  	s31 =	sshll.u32 s1, $0xD;
	s1 =	sshrl.u32 s1, $0x2  }
0xb9: {  	s3 =	sand.u32 $0x4000, s31;
	s1 =	sadd.s32 s1, s30  }
0xba: {  	s0 =	sor.u32 s3, s0;
	s1 =	sshll.u32 s1, $0x11  }
0xbb: {  	s0 =	sor.u32 s1, s0  }
0xbc: {  	s0 =	sadd.s32 $0x8F2B, s0  }
0xbd: {  	[sflag:s0] =	ssyncadd.remote.s32 $0x1  }
0xbe: {  	_ =	sfence.sel $0xFFFF  }
0xbf: {  	[dreg:$0x0] =	wrdreg $0xFFFFFFFF;
	(pc) =	sbr.abs _section_cstart, $3  }
0xc0: {  	[dreg:$0x1] =	wrdreg $0xFFFFFFFF  }
0xc1: {  	_ =	task.clear_ibuf [dreg:s6], $0x2FFFF;
	_ =	strace $0x9FFFFFFF  }
0xc2: {  	(tm) =	ssettm $0x7FFFFFFF  }
0xc3: {  	_ =	shalt  }
tec
execute0_lowered:
.L_overlay_start_1:
0x0: {  	(tag) =	ssettag $0x1  }
0x1: {  	s1 =	srdreg.scid  }
0x2: {  	s0 =	stileid.u32;
	s4 =	rddreg [dreg:$0x0]  }
0x3: {  	s2 =	rddreg [dreg:$0x1];
	s3 =	simm.s32 $0x0;
	s17 =	simm.s32 $0x5  }
0x4: {  	s18 =	simm.s32 $0x3;
	s19 =	simm.s32 $0xC350;
	s20 =	simm.s32 $0x1  }
0x5: {  	s21 =	simm.s32 $0x50;
	s22 =	simm.s32 $0xD750;
	s23 =	simm.s32 $0x2  }
0x6: {  	s24 =	simm.s32 $0x9C90;
	s25 =	simm.s32 $0x4;
	s8 =	smul.u32 $0x9C40, s0  }
0x7: {  	s26 =	simm.s32 $0xC300;
	s5 =	sand.u32 $0x1, s1;
	s14 =	smul.u32 $0x4E20, s0  }
0x8: {  	s28 =	simm.s32 $0x0;
	s29 =	sshll.u32 s0, $0x1;
	s9 =	smul.u32 $0x9C400, s5  }
0x9: {  	[smem:$0x7FF] =	sst s3;
	s6 =	sor.u32 s5, s29;
	s15 =	smul.u32 $0x2710, s5  }
0xa: {  	s13 =	sadd.s32 $0x2CC00, s4;
	_ =	strace $0x8000004A;
	s7 =	smul.u32 $0x4E2, s6  }
0xb: {  	s11 =	ssub.s32 $0x2, s5;
	s10 =	sshrl.u32 s8, $0x3;
	s12 =	smul.u32 $0x13880, s6  }
0xc: {  	s30 =	sshrl.u32 s11, $0x1;
	s16 =	sadd.s32 s8, s2;
	s10 =	sadd.s32 s10, s4  }
0xd: {  	s9 =	sadd.s32 s8, s9;
	s11 =	ssub.s32 s11, s30;
	s31 =	sadd.s32 s15, s14  }
0xe: {  	s15 =	sshrl.u32 s16, $0x3;
	s16 =	simm.s32 $0x9C40;
	s7 =	sadd.s32 s7, s4  }
0xf: {  	s9 =	sshrl.u32 s9, $0x3;
	s5 =	sadd.s32 $0x5600, s10;
	s8 =	sadd.s32 s13, s12  }
0x10: {  	s10 =	smax.u32 s11, $0x1;
	s14 =	sshll.u32 s31, $0x3;
	s9 =	sadd.s32 s9, s4  }
0x11: {  	s4 =	sshll.u32 s0, $0x6;
	s7 =	sadd.s32 $0x22E00, s7;
	s11 =	sadd.s32 $0x280, s8  }
0x12: {  	s12 =	sadd.s32 $0x500, s8;
	s14 =	sadd.s32 s13, s14;
	s6 =	sor.u32 $0x1C03, s4  }
0x13: {  	s9 =	sadd.s32 $0x29DC00, s9;
	s13 =	sadd.s32 $0x780, s14;
	s14 =	sadd.s32 $0xA00, s14  }
.LBB2_1:
0x14: {  	[spmem:s15], [sflag:s6] =	dma.local [hbm:s5], $0x1388  }
0x15: {  	[tilespmem:s16], [sflag:$0x5] =	stream.linear.gather [hbm4b:s7+s3], $0x2710, $0x38;
	[tilespmem:$0xEB50] =	vst v63  }
0x16: {  	_ =	swait.ge [sflag:s17], $0x2710  }
0x17: {  	[sflag:s17] =	ssyncset.done $0x0  }
0x18: {  	[sflag:s17] =	ssyncadd.s32 $0xFFFFD8F0  }
0x19: {  	_ =	swait.ge [sflag:s18], $0x1388  }
0x1a: {  	[sflag:s18] =	ssyncset.done $0x0  }
0x1b: {  	[sflag:s18] =	ssyncadd.s32 $0xFFFFEC78  }
0x1c: {  	[bflag:$0x0] =	sbarrier.arrive $0xFFFF  }
0x1d: {  	[tilespmem:s19], [sflag:$0x1] =	stream.linear.gather [hbm4b:s8+s3], $0x1400, $0x38;
	[tilespmem:$0xEB50] =	vst v63  }
0x1e: {  	_ =	swait.ge [sflag:s20], $0x1400  }
0x1f: {  	[sflag:s20] =	ssyncset.done $0x0  }
0x20: {  	[sflag:s20] =	ssyncadd.s32 $0xFFFFEC00  }
0x21: {  	[spmem:s2] =	stream.indirect.scatter.add.f32 [tilespmem:s19], [sflag:$0x3], $0x40, s16, s21, $0xb8;
	[tilespmem:$0xEB50] =	vst v63  }
0x22: {  	_ = 	snop  }
0x23: {  	[tilespmem:s22], [sflag:$0x2] =	stream.linear.gather [hbm4b:s11+s3], $0x1400, $0x38;
	[tilespmem:$0xEB50] =	vst v63  }
0x24: {  	_ =	swait.ge [sflag:s23], $0x1400  }
0x25: {  	[sflag:s23] =	ssyncset.done $0x0  }
0x26: {  	[sflag:s23] =	ssyncadd.s32 $0xFFFFEC00  }
0x27: {  	[spmem:s2] =	stream.indirect.scatter.add.f32 [tilespmem:s22], [sflag:$0x4], $0x40, s24, s21, $0xb8;
	[tilespmem:$0xEB50] =	vst v63  }
0x28: {  	_ =	swait.ge [sflag:s18], $0x1400  }
0x29: {  	[sflag:s18] =	ssyncset.done $0x0  }
0x2a: {  	[sflag:s18] =	ssyncadd.s32 $0xFFFFEC00  }
0x2b: {  	[tilespmem:s19], [sflag:$0x1] =	stream.linear.gather [hbm4b:s12+s3], $0x1400, $0x38;
	[tilespmem:$0xEB50] =	vst v63  }
0x2c: {  	_ =	swait.ge [sflag:s20], $0x1400  }
0x2d: {  	[sflag:s20] =	ssyncset.done $0x0  }
0x2e: {  	s29 =	simm.s32 $0x9CE0;
	[sflag:s20] =	ssyncadd.s32 $0xFFFFEC00  }
0x2f: {  	[spmem:s2] =	stream.indirect.scatter.add.f32 [tilespmem:s19], [sflag:$0x3], $0x40, s29, s21, $0xb8;
	[tilespmem:$0xEB50] =	vst v63  }
0x30: {  	_ =	swait.ge [sflag:s25], $0x1400  }
0x31: {  	[sflag:s25] =	ssyncset.done $0x0  }
0x32: {  	s29 =	sadd.s32 $0x0, s13;
	[sflag:s25] =	ssyncadd.s32 $0xFFFFEC00  }
0x33: {  	[tilespmem:s22], [sflag:$0x2] =	stream.linear.gather [hbm4b:s29+s3], $0x1400, $0x38;
	[tilespmem:$0xEB50] =	vst v63  }
0x34: {  	_ =	swait.ge [sflag:s23], $0x1400  }
0x35: {  	[sflag:s23] =	ssyncset.done $0x0  }
0x36: {  	s29 =	simm.s32 $0x9D30;
	[sflag:s23] =	ssyncadd.s32 $0xFFFFEC00  }
0x37: {  	[spmem:s2] =	stream.indirect.scatter.add.f32 [tilespmem:s22], [sflag:$0x4], $0x40, s29, s21, $0xb8;
	[tilespmem:$0xEB50] =	vst v63  }
0x38: {  	_ =	swait.ge [sflag:s18], $0x1400  }
0x39: {  	s31 =	sadd.s32 $0x0, s14;
	[sflag:s18] =	ssyncset.done $0x0  }
0x3a: {  	s30 =	simm.s32 $0x9D80;
	s29 =	simm.s32 $0x500;
	[sflag:s18] =	ssyncadd.s32 $0xFFFFEC00  }
.LBB2_2:
0x3b: {  	[tilespmem:s19], [sflag:$0x1] =	stream.linear.gather [hbm4b:s31+s3], $0x1400, $0x38;
	[tilespmem:$0xEB50] =	vst v63  }
0x3c: {  	s31 =	smov.u32 s29  }
0x3d: {  	p0 =	sne.s32 s29, $0x12C00;
	s29 =	sadd.s32 $0x500, s29;
	_ =	swait.ge [sflag:s20], $0x1400  }
0x3e: {  	[sflag:s20] =	ssyncset.done $0x0  }
0x3f: {  	[sflag:s20] =	ssyncadd.s32 $0xFFFFEC00  }
0x40: {  	[spmem:s2] =	stream.indirect.scatter.add.f32 [tilespmem:s19], [sflag:$0x3], $0x40, s30, s21, $0xb8;
	[tilespmem:$0xEB50] =	vst v63  }
0x41: {  	_ =	swait.ge [sflag:s25], $0x1400  }
0x42: {  	[sflag:s25] =	ssyncset.done $0x0  }
0x43: {  	s1 =	sadd.s32 s31, s13;
	[sflag:s25] =	ssyncadd.s32 $0xFFFFEC00  }
0x44: {  	[tilespmem:s22], [sflag:$0x2] =	stream.linear.gather [hbm4b:s1+s3], $0x1400, $0x38;
	[tilespmem:$0xEB50] =	vst v63  }
0x45: {  	_ =	swait.ge [sflag:s23], $0x1400  }
0x46: {  	[sflag:s23] =	ssyncset.done $0x0  }
.Ltmp0:
0x47: {  	s1 =	sadd.s32 $0x50, s30;
	[sflag:s23] =	ssyncadd.s32 $0xFFFFEC00;
	(pc) =	sbr.rel @p0 .LBB2_2-.Ltmp0, $4  }
0x48: {  	[spmem:s2] =	stream.indirect.scatter.add.f32 [tilespmem:s22], [sflag:$0x4], $0x40, s1, s21, $0xb8;
	[tilespmem:$0xEB50] =	vst v63  }
0x49: {  	_ =	swait.ge [sflag:s18], $0x1400  }
0x4a: {  	[sflag:s18] =	ssyncset.done $0x0  }
0x4b: {  	s31 =	sadd.s32 s31, s14;
	s30 =	sadd.s32 $0xA0, s30;
	[sflag:s18] =	ssyncadd.s32 $0xFFFFEC00  }
0x4c: {  	[tilespmem:s19], [sflag:$0x1] =	stream.linear.gather [hbm4b:s31+s3], $0x1400, $0x38;
	[tilespmem:$0xEB50] =	vst v63  }
0x4d: {  	_ =	swait.ge [sflag:s20], $0x1400  }
0x4e: {  	[sflag:s20] =	ssyncset.done $0x0  }
0x4f: {  	[sflag:s20] =	ssyncadd.s32 $0xFFFFEC00  }
0x50: {  	[spmem:s2] =	stream.indirect.scatter.add.f32 [tilespmem:s19], [sflag:$0x3], $0x40, s26, s21, $0xb8;
	[tilespmem:$0xEB50] =	vst v63  }
0x51: {  	_ =	swait.ge [sflag:s18], $0x1400  }
0x52: {  	[sflag:s18] =	ssyncset.done $0x0  }
0x53: {  	[sflag:s18] =	ssyncadd.s32 $0xFFFFEC00  }
0x54: {  	_ =	swait.ge [sflag:s25], $0x1400  }
0x55: {  	s28 =	sadd.s32 $0x1, s28;
	[sflag:s25] =	ssyncset.done $0x0  }
0x56: {  	p0 =	sne.s32 s28, s10;
	[sflag:s25] =	ssyncadd.s32 $0xFFFFEC00  }
.Ltmp1:
0x57: {  	s1 =	sor.u32 $0x1C05, s4;
	[bflag:$0x0] =	sbarrier.arrive $0xFFFF;
	(pc) =	sbr.rel @p0 .LBB2_1-.Ltmp1, $4  }
0x58: {  	[hbm:s9], [sflag:s1] =	dma.local [spmem:s15], $0x1388  }
0x59: {  	_ =	swait.ge [sflag:s17], $0x1388  }
0x5a: {  	[sflag:s17] =	ssyncset.done $0x0  }
0x5b: {  	[sflag:s17] =	ssyncadd.s32 $0xFFFFEC78  }
0x5c: {  	_ =	sfence.sel $0x180000  }
0x5d: {  	[bflag:$0x0] =	sbarrier.arrive $0xFFFF  }
0x5e: {  	_ =	strace $0x9000004A  }
0x5f: {  	[bflag:$0x2] =	sbarrier.arrive $0xFFFF  }
0x60: {  	p0 =	sne.s32 s0, $0x0;
	s0 =	rddreg [dreg:$0x2]  }
0x61: {  	s0 =	sadd.s32 @!p0 $0x100000, s0  }
0x62: {  	[sflag:s0] =	ssyncadd.tile.s32 @!p0 $0x1;
	_ =	shalt  }
.Lfunc_end2:
_tile_overlayer_lowered:
.L_overlay_start_2:
0x63: {  	(tag) =	ssettag $0x2  }
0x64: {  	s0 =	rddreg [dreg:$0x0];
	s2 =	stileid.u32  }
0x65: {  	s1 =	rddreg [dreg:$0x1];
	p0 =	sne.s32 s2, $0x0  }
0x66: {  	s3 =	rddreg [dreg:$0x2];
	[bflag:$0x3] =	sbarrier.arrive $0xFFFF;
	s2 =	simm.s32 @!p0 $0x1C05  }
0x67: {  	[timem:s3], [sflag:s2] =	dma.local @!p0 [hbm:s0], s1  }
0x68: {  	s0 =	simm.s32 @!p0 $0x5  }
0x69: {  	_ =	swait.ge @!p0 [sflag:s0], s1  }
0x6a: {  	s1 =	ssub.s32 @!p0 $0x0, s1;
	[sflag:s0] =	ssyncset.done @!p0 $0x0  }
0x6b: {  	[sflag:s0] =	ssyncadd.s32 @!p0 s1  }
0x6c: {  	[bflag:$0x3] =	sbarrier.arrive $0xFFFF  }
0x6d: {  	_ =	shalt  }

// kernel: kernel.7.cloned.1.call-start
scs
__scs_entry_jumppad:
0x0: {  	(pc) =	sbr.rel $0x88, $3  }
0x1: {  	(tag) =	ssettag $0x0;
	lr =	simm.s32 $0x1  }
0x2: {  	[smem:$0x3F88] =	sst lr;
	_ =	strace $0xD0000000  }
0x3: {  	_ = 	snop  }
0x4: {  	_ = 	snop  }
0x5: {  	_ = 	snop  }
0x6: {  	_ = 	snop  }
0x7: {  	_ = 	snop  }
__scs_overlays_trampoline_lowered:
0x8: {  	[smem:$0x3F97] =	sst s0  }
0x9: {  	[smem:$0x3F98] =	sst s1  }
0xa: {  	[smem:$0x3F99] =	sst s2  }
0xb: {  	[smem:$0x3F9A] =	sst s3  }
0xc: {  	[smem:$0x3F9B] =	sst s4  }
0xd: {  	[smem:$0x3F9C] =	sst s5  }
0xe: {  	[smem:$0x3F9D] =	sst s6  }
0xf: {  	[smem:$0x3F9E] =	sst s7  }
0x10: {  	[smem:$0x3F9F] =	sst s8  }
0x11: {  	[smem:$0x3FA0] =	sst s9;
	s0 =	simm.s32 @!p0 $0x0  }
0x12: {  	s1 =	sld [smem:$0x3F86];
	s0 =	simm.s32 @p0 $0x1  }
0x13: {  	[smem:$0x3FA1] =	sst s0;
	s0 =	simm.s32 @!p1 $0x0  }
0x14: {  	s2 =	sld [smem:$0x3F85];
	s0 =	simm.s32 @p1 $0x1  }
0x15: {  	[smem:$0x3FA2] =	sst s0;
	s0 =	simm.s32 @!p2 $0x0  }
0x16: {  	s3 =	sld [smem:$0x3FDB];
	s0 =	simm.s32 @p2 $0x1  }
0x17: {  	s4 =	simm.s32 $0x1BF5;
	[smem:$0x3FA4] =	sst s0  }
0x18: {  	s0 =	sld [smem:$0x3F87];
	_ =	swait.ge [sflag:s4], $0x0  }
0x19: {  	s7 =	sld [smem:$0x3F88]  }
0x1a: {  	s8 =	sadd.s32 $0xFFFFE003, lr  }
0x1b: {  	s9 =	sadd.s32 $0xFFFFFEF7, lr;
	s5 =	simm.s32 $0xFFFFFFFF;
	p2 =	slt.u32 s8, $0xFFFFF086  }
0x1c: {  	p1 =	slt.u32 s9, $0xF7A;
	s5 =	simm.s32 @!p2 $0x0  }
0x1d: {  	s5 =	simm.s32 @p1 $0x1;
	p0 =	seq.s32 s7, s2  }
0x1e: {  	s7 =	smul.u32 @!p0 $0xF7A, s2;
	p2 =	seq.s32 @!p0 s5, $0x0  }
0x1f: {  	s9 =	smul.u32 $0xF7A, s1;
	s8 =	simm.s32 @!p0 $0x1BF5;
	p2 =	por !p2, p0  }
0x20: {  	[sflag:s8] =	ssyncset.s32 @!p0 $0xFFFFF086;
	s6 =	sadd.s32 @!p0 s3, s7;
	s7 =	simm.s32 @!p0 $0x108  }
0x21: {  	s3 =	sadd.s32 s3, s9;
	s6 =	sadd.s32 @!p0 $0x88, s6;
	s7 =	simm.s32 @p2 $0x1082  }
0x22: {  	[simem:s7], [sflag:s8] =	dma.local @!p0 [hbm:s6], $0xF7A  }
0x23: {  	s9 =	sor.u32 $0xD0000000, s2;
	s6 =	simm.s32 $0x108;
	_ =	swait.ge @!p0 [sflag:s8], $0x0  }
0x24: {  	s3 =	sadd.s32 $0x88, s3;
	s6 =	simm.s32 @!p1 $0x1082;
	[sflag:s4] =	ssyncset.s32 $0xFFFFF086  }
0x25: {  	[simem:s6], [sflag:s4] =	dma.local [hbm:s3], $0xF7A  }
0x26: {  	[smem:$0x3F88] =	sst s1;
	(tag) =	ssettag s2;
	_ =	strace s9  }
0x27: {  	s1 =	sld [smem:$0x3F98]  }
0x28: {  	s2 =	sld [smem:$0x3F99]  }
0x29: {  	s4 =	sld [smem:$0x3F9B]  }
0x2a: {  	p0 =	seq.s32 s5, $0x0;
	s5 =	sld [smem:$0x3F9C]  }
0x2b: {  	s6 =	sld [smem:$0x3F9D]  }
0x2c: {  	s7 =	sld [smem:$0x3F9E]  }
0x2d: {  	s3 =	simm.s32 $0x108;
	s8 =	sld [smem:$0x3F9F]  }
0x2e: {  	s3 =	simm.s32 @!p0 $0x1082;
	s9 =	sld [smem:$0x3FA0]  }
0x2f: {  	lr =	sadd.s32 s0, s3;
	s0 =	sld [smem:$0x3F97]  }
0x30: {  	s3 =	sld [smem:$0x3F9A]  }
0x31: {  	[smem:$0x3FA3] =	sst s10  }
0x32: {  	s10 =	sld [smem:$0x3FA1];
	_ =	sdelay $0x3  }
0x33: {  	p0 =	seq.s32 s10, $0x1;
	s10 =	sld [smem:$0x3FA3];
	_ =	sdelay $0x3  }
0x34: {  	[smem:$0x3FA3] =	sst s10  }
0x35: {  	s10 =	sld [smem:$0x3FA2];
	_ =	sdelay $0x3  }
0x36: {  	p1 =	seq.s32 s10, $0x1;
	s10 =	sld [smem:$0x3FA3];
	_ =	sdelay $0x3  }
0x37: {  	[smem:$0x3FA3] =	sst s10  }
0x38: {  	s10 =	sld [smem:$0x3FA4]  }
0x39: {  	_ = 	snop;
	(pc) =	sbr.ind lr, $3  }
0x3a: {  	_ = 	snop  }
0x3b: {  	_ = 	snop  }
0x3c: {  	p2 =	seq.s32 s10, $0x1;
	s10 =	sld [smem:$0x3FA3]  }
0x3d: {  	_ =	shalt  }
0x3e: {  	_ =	shalt  }
0x3f: {  	_ =	shalt  }
0x40: {  	_ =	shalt  }
0x41: {  	_ =	shalt  }
0x42: {  	_ =	shalt  }
0x43: {  	_ =	shalt  }
0x44: {  	_ =	shalt  }
0x45: {  	_ =	shalt  }
0x46: {  	_ =	shalt  }
0x47: {  	_ =	shalt  }
0x48: {  	_ =	shalt  }
0x49: {  	_ =	shalt  }
0x4a: {  	_ =	shalt  }
0x4b: {  	_ =	shalt  }
0x4c: {  	_ =	shalt  }
0x4d: {  	_ =	shalt  }
0x4e: {  	_ =	shalt  }
0x4f: {  	_ =	shalt  }
0x50: {  	_ =	shalt  }
0x51: {  	_ =	shalt  }
0x52: {  	_ =	shalt  }
0x53: {  	_ =	shalt  }
0x54: {  	_ =	shalt  }
0x55: {  	_ =	shalt  }
0x56: {  	_ =	shalt  }
0x57: {  	_ =	shalt  }
0x58: {  	_ =	shalt  }
0x59: {  	_ =	shalt  }
0x5a: {  	_ =	shalt  }
0x5b: {  	_ =	shalt  }
0x5c: {  	_ =	shalt  }
0x5d: {  	_ =	shalt  }
0x5e: {  	_ =	shalt  }
0x5f: {  	_ =	shalt  }
0x60: {  	_ =	shalt  }
0x61: {  	_ =	shalt  }
0x62: {  	_ =	shalt  }
0x63: {  	_ =	shalt  }
0x64: {  	_ =	shalt  }
0x65: {  	_ =	shalt  }
0x66: {  	_ =	shalt  }
0x67: {  	_ =	shalt  }
0x68: {  	_ =	shalt  }
0x69: {  	_ =	shalt  }
0x6a: {  	_ =	shalt  }
0x6b: {  	_ =	shalt  }
0x6c: {  	_ =	shalt  }
0x6d: {  	_ =	shalt  }
0x6e: {  	_ =	shalt  }
0x6f: {  	_ =	shalt  }
0x70: {  	_ =	shalt  }
0x71: {  	_ =	shalt  }
0x72: {  	_ =	shalt  }
0x73: {  	_ =	shalt  }
0x74: {  	_ =	shalt  }
0x75: {  	_ =	shalt  }
0x76: {  	_ =	shalt  }
0x77: {  	_ =	shalt  }
0x78: {  	_ =	shalt  }
0x79: {  	_ =	shalt  }
0x7a: {  	_ =	shalt  }
0x7b: {  	_ =	shalt  }
0x7c: {  	_ =	shalt  }
0x7d: {  	_ =	shalt  }
0x7e: {  	_ =	shalt  }
0x7f: {  	_ =	shalt  }
0x80: {  	_ =	shalt  }
0x81: {  	_ =	shalt  }
0x82: {  	_ =	shalt  }
0x83: {  	_ =	shalt  }
0x84: {  	_ =	shalt  }
0x85: {  	_ =	shalt  }
0x86: {  	_ =	shalt  }
0x87: {  	_ =	shalt  }
.Lfunc_end0:
.L_simem_size_0:
called_computation_lowered:
.L_overlay_start_0:
0x88: {  	s2 =	sld [smem:$0x3FD9]  }
0x89: {  	s3 =	sld [smem:$0x3FFE];
	_ =	sdelay $0x1  }
0x8a: {  	s1 =	srdreg.scid  }
0x8b: {  	s0 =	sand.u32 $0x1, s1  }
0x8c: {  	s14 =	sshll.u32 s0, $0xA;
	s2 =	sadd.s32 s3, s2  }
0x8d: {  	s2 =	sadd.s32 s2, s14  }
0x8e: {  	[smem:$0x3FAF] =	sst s2  }
0x8f: {  	_ = 	snop  }
0x90: {  	s2 =	sld [smem:$0x3FD0];
	_ =	sdelay $0x2  }
0x91: {  	s15 =	simm.s32 $0xA;
	s4 =	simm.s32 $0x10  }
0x92: {  	[smem:s4], [sflag:s15] =	dma.local [hbm:s2], $0x1  }
0x93: {  	_ =	swait.eq [sflag:s15], $0x1  }
0x94: {  	[sflag:s15] =	ssyncset.done $0x0  }
0x95: {  	[sflag:s15] =	ssyncadd.s32 $0xFFFFFFFF  }
0x96: {  	s16 =	sld [smem:$0x11];
	(tm) =	ssettm $0x1  }
0x97: {  	s17 =	sld [smem:$0x3FFB];
	_ =	sdelay $0x3  }
0x98: {  	_ =	strace s17  }
0x99: {  	s3 =	sld [smem:$0x3FFC];
	_ =	sdelay $0x3  }
0x9a: {  	_ =	strace s3  }
0x9b: {  	s3 =	sld [smem:$0x3FFD];
	_ =	sdelay $0x3  }
0x9c: {  	_ =	strace s3  }
0x9d: {  	_ =	strace $0x8FFFFFFF  }
0x9e: {  	s18 =	sld [smem:$0x3FDB];
	_ =	sdelay $0x1  }
0x9f: {  	s19 =	simm.s32 $_scs_section_size  }
0xa0: {  	s5 =	simm.s32 $_size__tile_overlayer_lowered;
	s6 =	simm.s32 $_tile_overlayer_lowered  }
0xa1: {  	s22 =	simm.s32 $0x1BFF;
	s21 =	sshll.u32 s6, $0x1;
	s3 =	sadd.s32 s19, s18  }
0xa2: {  	s7 =	simm.s32 $0x0;
	s20 =	sshll.u32 s5, $0x1;
	s5 =	sadd.s32 s21, s3  }
0xa3: {  	[timem:s7], [sflag:s22] =	dma.local [hbm:s5], s20  }
0xa4: {  	_ =	swait.ge [sflag:s22], s20  }
0xa5: {  	s4 =	ssub.s32 $0x0, s20;
	[sflag:s22] =	ssyncset.done $0x0  }
0xa6: {  	[sflag:s22] =	ssyncadd.s32 s4;
	_ =	sdelay $0x1  }
0xa7: {  	s23 =	simm.s32 $0x1B8B  }
0xa8: {  	_ =	swait.ge [sflag:s23], $0x1  }
0xa9: {  	[sflag:s23] =	ssyncset.done $0x0  }
0xaa: {  	s25 =	simm.s32 $0x1B8E;
	s24 =	sld [smem:$0x3FFE];
	[sflag:s23] =	ssyncadd.s32 $0xFFFFFFFF  }
0xab: {  	s26 =	simm.s32 $execute0_lowered;
	[smem:$0x3FD2] =	sst s25  }
0xac: {  	s5 =	sshll.u32 s26, $0x1;
	_ =	strace $0x80000046;
	[dreg:$0x1] =	wrdreg $0xFFFFFFFF  }
0xad: {  	s28 =	simm.s32 $_size_execute0_lowered;
	s3 =	sadd.s32 s3, s5;
	[dreg:$0x0] =	wrdreg $0x0  }
0xae: {  	s5 =	sshll.u32 s28, $0x1;
	[dreg:$0x2] =	wrdreg s3  }
0xaf: {  	[dreg:$0x3] =	wrdreg s5  }
0xb0: {  	[dreg:$0x4] =	wrdreg $0xC0  }
0xb1: {  	_ =	task [dreg:s7], $0x5FFFF  }
0xb2: {  	[dreg:$0x1] =	wrdreg $0xFFFFFFFF  }
0xb3: {  	[dreg:$0x0] =	wrdreg $0x60  }
0xb4: {  	[dreg:$0x2] =	wrdreg s24  }
0xb5: {  	[dreg:$0x3] =	wrdreg s16  }
0xb6: {  	[dreg:$0x4] =	wrdreg $0x9  }
0xb7: {  	_ =	task.clear_ibuf [dreg:s7], $0x5FFFF;
	_ =	strace $0x90000046  }
0xb8: {  	s29 =	simm.s32 $0x9;
	_ =	strace $0x80000048  }
0xb9: {  	_ =	swait.ge [sflag:s29], $0x1  }
0xba: {  	[sflag:s29] =	ssyncadd.s32 $0xFFFFFFFF  }
0xbb: {  	_ =	strace $0x90000048  }
0xbc: {  	_ =	sfence  }
0xbd: {  	s30 =	sld [smem:$0x0];
	_ =	sdelay $0x2  }
0xbe: {  	s31 =	sshll.u32 s1, $0xD;
	s1 =	sshrl.u32 s1, $0x2  }
0xbf: {  	s3 =	sand.u32 $0x4000, s31;
	s1 =	sadd.s32 s1, s30  }
0xc0: {  	s0 =	sor.u32 s3, s0;
	s1 =	sshll.u32 s1, $0x11  }
0xc1: {  	s0 =	sor.u32 s1, s0  }
0xc2: {  	s0 =	sadd.s32 $0x8F2B, s0  }
0xc3: {  	[sflag:s0] =	ssyncadd.remote.s32 $0x1  }
0xc4: {  	_ =	sfence.sel $0xFFFF  }
0xc5: {  	[dreg:$0x0] =	wrdreg $0xFFFFFFFF;
	(pc) =	sbr.abs _section_cstart, $3  }
0xc6: {  	[dreg:$0x1] =	wrdreg $0xFFFFFFFF  }
0xc7: {  	_ =	task.clear_ibuf [dreg:s7], $0x2FFFF;
	_ =	strace $0x9FFFFFFF  }
0xc8: {  	(tm) =	ssettm $0x7FFFFFFF  }
0xc9: {  	_ =	shalt  }
tec
execute0_lowered:
.L_overlay_start_1:
0x0: {  	(tag) =	ssettag $0x1  }
0x1: {  	s5 =	rddreg [dreg:$0x0];
	s1 =	srdreg.scid  }
0x2: {  	s0 =	stileid.u32;
	s2 =	rddreg [dreg:$0x1]  }
0x3: {  	s3 =	simm.s32 $0x0;
	s12 =	simm.s32 $0x2710;
	s13 =	simm.s32 $0x50  }
0x4: {  	s14 =	simm.s32 $0x4E20;
	s15 =	simm.s32 $0x7620;
	s16 =	simm.s32 $0x1  }
0x5: {  	s17 =	simm.s32 $0x6220;
	s18 =	simm.s32 $0x8A20;
	s19 =	simm.s32 $0x9E20  }
0x6: {  	s20 =	simm.s32 $0x2;
	s21 =	simm.s32 $0xB220;
	s22 =	simm.s32 $0x3  }
0x7: {  	s23 =	simm.s32 $0x4;
	s6 =	sand.u32 $0x1, s1;
	s4 =	sshll.u32 s0, $0x1  }
0x8: {  	s24 =	simm.s32 $0x0;
	s1 =	rddreg [dreg:$0x2];
	s7 =	sor.u32 s6, s4  }
0x9: {  	[smem:$0x7FF] =	sst s3;
	s6 =	ssub.s32 $0x2, s6;
	s4 =	smul.u32 $0x4E2, s7  }
0xa: {  	_ =	strace $0x80000047;
	s8 =	smul.u32 $0x9C400, s7;
	s10 =	sshrl.u32 s6, $0x1  }
0xb: {  	s10 =	ssub.s32 s6, s10;
	s6 =	smul.u32 $0x2710, s7;
	s9 =	sadd.s32 s4, s5  }
0xc: {  	s4 =	sadd.s32 $0x5600, s5;
	s5 =	sadd.s32 $0x2CC00, s5;
	s8 =	sshrl.u32 s8, $0x3  }
0xd: {  	s10 =	smax.u32 s10, $0x1;
	s11 =	sadd.s32 s5, s8;
	s7 =	sadd.s32 $0x19000, s9  }
0xe: {  	s8 =	sadd.s32 $0x22E00, s9;
	s9 =	sadd.s32 $0x13600, s11;
	s11 =	simm.s32 $0x5  }
.LBB2_1:
0xf: {  	[tilespmem:s3], [sflag:$0x5] =	stream.linear.gather [hbm4b:s7+s3], $0x2710, $0x38;
	[tilespmem:$0xC620] =	vst v63  }
0x10: {  	_ =	swait.ge [sflag:s11], $0x2710  }
0x11: {  	[sflag:s11] =	ssyncset.done $0x0  }
0x12: {  	[sflag:s11] =	ssyncadd.s32 $0xFFFFD8F0  }
0x13: {  	[tilespmem:s12], [sflag:$0x5] =	stream.linear.gather [hbm4b:s8+s3], $0x2710, $0x38;
	[tilespmem:$0xC620] =	vst v63  }
0x14: {  	_ =	swait.ge [sflag:s11], $0x2710  }
0x15: {  	[sflag:s11] =	ssyncset.done $0x0  }
0x16: {  	[sflag:s11] =	ssyncadd.s32 $0xFFFFD8F0  }
0x17: {  	[tilespmem:s14], [sflag:$0x1] =	stream.indirect.gather [hbm4b:s2+s13], $0x40, s3, s13, $0xb8;
	[tilespmem:$0xC620] =	vst v63  }
0x18: {  	s25 =	simm.s32 $0x0  }
0x19: {  	[tilespmem:s15], [sflag:$0x1] =	stream.indirect.gather [hbm4b:s4+s13], $0x40, s12, s13, $0xb8;
	[tilespmem:$0xC620] =	vst v63  }
.LBB2_2:
0x1a: {  	_ =	swait.ge [sflag:s16], $0x1400  }
0x1b: {  	[sflag:s16] =	ssyncset.done $0x0  }
0x1c: {  	[sflag:s16] =	ssyncadd.s32 $0xFFFFEC00  }
0x1d: {  	s28 =	smul.u32 $0xA0, s25;
	_ =	swait.ge [sflag:s16], $0x1400  }
0x1e: {  	[sflag:s16] =	ssyncset.done $0x0  }
0x1f: {  	s26 =	sadd.s32 $0x50, s28;
	[sflag:s16] =	ssyncadd.s32 $0xFFFFEC00  }
0x20: {  	[tilespmem:s17], [sflag:$0x2] =	stream.indirect.gather [hbm4b:s2+s13], $0x40, s26, s13, $0xb8;
	[tilespmem:$0xC620] =	vst v63  }
0x21: {  	p0 =	seq.s32 s25, $0x0;
	s29 =	sadd.s32 $0x2760, s28  }
0x22: {  	[tilespmem:s18], [sflag:$0x2] =	stream.indirect.gather [hbm4b:s4+s13], $0x40, s29, s13, $0xb8;
	[tilespmem:$0xC620] =	vst v63  }
0x23: {  	s29 =	simm.s32 @!p0 $0x3  }
0x24: {  	_ =	swait.ge @!p0 [sflag:s29], $0x1400  }
0x25: {  	[sflag:s29] =	ssyncset.done @!p0 $0x0  }
0x26: {  	s30 =	simm.s32 $0x0;
	[sflag:s29] =	ssyncadd.s32 @!p0 $0xFFFFEC00  }
0x27: {  	v2 =	vld [tilespmem:s30+$0x4E50]  }
0x28: {  	v4 =	vld [tilespmem:s30+$0x7650]  }
0x29: {  	v5 =	vld [tilespmem:s30+$0x4E20]  }
0x2a: {  	v6 =	vld [tilespmem:s30+$0x7620]  }
0x2b: {  	v1 =	vld [tilespmem:s30+$0x4E30]  }
0x2c: {  	v3 =	vld [tilespmem:s30+$0x7630]  }
0x2d: {  	v0 =	vld [tilespmem:s30+$0x4E40];
	v7 =	vadd.f32 v4, v2  }
0x2e: {  	s29 =	simm.s32 $0x40;
	v4 =	vld [tilespmem:s30+$0x7640]  }
0x2f: {  	s31 =	simm.s32 $0x200;
	v2 =	vld [tilespmem:s29+$0x4E50];
	v5 =	vadd.f32 v6, v5;
	[tilespmem:s30+$0x9E50] =	vst v7  }
.LBB2_3:
0x30: {  	p1 =	sne.s32 s31, $0x4F00;
	v6 =	vld [tilespmem:s29+$0x7650]  }
0x31: {  	v7 =	vld [tilespmem:s29+$0x4E20];
	[tilespmem:s30+$0x9E20] =	vst v5;
	v3 =	vadd.f32 v3, v1  }
0x32: {  	v5 =	vld [tilespmem:s29+$0x7620]  }
.Ltmp0:
0x33: {  	v1 =	vld [tilespmem:s29+$0x4E30];
	[tilespmem:s30+$0x9E30] =	vst v3;
	v4 =	vadd.f32 v4, v0;
	(pc) =	sbr.rel @p1 .LBB2_3-.Ltmp0, $4  }
0x34: {  	v3 =	vld [tilespmem:s29+$0x7630]  }
0x35: {  	v0 =	vld [tilespmem:s29+$0x4E40];
	v6 =	vadd.f32 v6, v2;
	[tilespmem:s30+$0x9E40] =	vst v4;
	s30 =	smov.u32 s29  }
0x36: {  	s29 =	sshra.s32 s31, $0x2;
	v4 =	vld [tilespmem:s30+$0x7640]  }
0x37: {  	s31 =	sadd.s32 $0x100, s31;
	v2 =	vld [tilespmem:s29+$0x4E50];
	v5 =	vadd.f32 v5, v7;
	[tilespmem:s30+$0x9E50] =	vst v6  }
0x38: {  	v6 =	vld [tilespmem:s29+$0x7650]  }
0x39: {  	v7 =	vld [tilespmem:s29+$0x4E20];
	[tilespmem:s30+$0x9E20] =	vst v5;
	v1 =	vadd.f32 v3, v1  }
0x3a: {  	v3 =	vld [tilespmem:s29+$0x7620]  }
0x3b: {  	v5 =	vld [tilespmem:s29+$0x4E30];
	[tilespmem:s30+$0x9E30] =	vst v1;
	v0 =	vadd.f32 v4, v0  }
0x3c: {  	v1 =	vld [tilespmem:s29+$0x7630]  }
0x3d: {  	v4 =	vld [tilespmem:s29+$0x4E40];
	[tilespmem:s30+$0x9E40] =	vst v0  }
0x3e: {  	v0 =	vld [tilespmem:s29+$0x7640];
	_ =	sdelay $0x1  }
0x3f: {  	v2 =	vadd.f32 v6, v2  }
0x40: {  	v3 =	vadd.f32 v3, v7  }
0x41: {  	[tilespmem:s29+$0x9E50] =	vst v2;
	v1 =	vadd.f32 v1, v5  }
0x42: {  	s30 =	sadd.s32 s6, s28;
	[tilespmem:s29+$0x9E20] =	vst v3;
	v0 =	vadd.f32 v0, v4  }
0x43: {  	s30 =	sshll.u32 s30, $0x3;
	[tilespmem:s29+$0x9E30] =	vst v1  }
0x44: {  	[tilespmem:s29+$0x9E40] =	vst v0;
	s29 =	sadd.s32 s5, s30  }
0x45: {  	[hbm4b:s29+s3] =	stream.linear.scatter [tilespmem:s19], [sflag:$0x3], $0x1400, $0x38;
	[tilespmem:$0xC620] =	vst v63  }
0x46: {  	_ =	swait.ge [sflag:s20], $0x1400  }
0x47: {  	[sflag:s20] =	ssyncset.done $0x0  }
0x48: {  	[sflag:s20] =	ssyncadd.s32 $0xFFFFEC00  }
0x49: {  	_ =	swait.ge [sflag:s20], $0x1400  }
0x4a: {  	[sflag:s20] =	ssyncset.done $0x0  }
0x4b: {  	s29 =	sadd.s32 $0xA0, s28;
	[sflag:s20] =	ssyncadd.s32 $0xFFFFEC00  }
0x4c: {  	[tilespmem:s14], [sflag:$0x1] =	stream.indirect.gather [hbm4b:s2+s13], $0x40, s29, s13, $0xb8;
	[tilespmem:$0xC620] =	vst v63  }
0x4d: {  	s28 =	sadd.s32 $0x27B0, s28  }
0x4e: {  	[tilespmem:s15], [sflag:$0x1] =	stream.indirect.gather [hbm4b:s4+s13], $0x40, s28, s13, $0xb8;
	[tilespmem:$0xC620] =	vst v63  }
0x4f: {  	s28 =	simm.s32 @!p0 $0x4  }
0x50: {  	_ =	swait.ge @!p0 [sflag:s28], $0x1400  }
0x51: {  	[sflag:s28] =	ssyncset.done @!p0 $0x0  }
0x52: {  	s29 =	simm.s32 $0x0;
	[sflag:s28] =	ssyncadd.s32 @!p0 $0xFFFFEC00  }
0x53: {  	v2 =	vld [tilespmem:s29+$0x6250]  }
0x54: {  	v4 =	vld [tilespmem:s29+$0x8A50]  }
0x55: {  	v5 =	vld [tilespmem:s29+$0x6220]  }
0x56: {  	v6 =	vld [tilespmem:s29+$0x8A20]  }
0x57: {  	v1 =	vld [tilespmem:s29+$0x6230]  }
0x58: {  	v3 =	vld [tilespmem:s29+$0x8A30]  }
0x59: {  	v0 =	vld [tilespmem:s29+$0x6240];
	v7 =	vadd.f32 v4, v2  }
0x5a: {  	s28 =	simm.s32 $0x40;
	v4 =	vld [tilespmem:s29+$0x8A40]  }
0x5b: {  	s30 =	simm.s32 $0x200;
	v2 =	vld [tilespmem:s28+$0x6250];
	v5 =	vadd.f32 v6, v5;
	[tilespmem:s29+$0xB250] =	vst v7  }
.LBB2_5:
0x5c: {  	p0 =	sne.s32 s30, $0x4F00;
	v6 =	vld [tilespmem:s28+$0x8A50]  }
0x5d: {  	v7 =	vld [tilespmem:s28+$0x6220];
	[tilespmem:s29+$0xB220] =	vst v5;
	v3 =	vadd.f32 v3, v1  }
0x5e: {  	v5 =	vld [tilespmem:s28+$0x8A20]  }
.Ltmp1:
0x5f: {  	v1 =	vld [tilespmem:s28+$0x6230];
	[tilespmem:s29+$0xB230] =	vst v3;
	v4 =	vadd.f32 v4, v0;
	(pc) =	sbr.rel @p0 .LBB2_5-.Ltmp1, $4  }
0x60: {  	v3 =	vld [tilespmem:s28+$0x8A30]  }
0x61: {  	v0 =	vld [tilespmem:s28+$0x6240];
	v6 =	vadd.f32 v6, v2;
	[tilespmem:s29+$0xB240] =	vst v4;
	s29 =	smov.u32 s28  }
0x62: {  	s28 =	sshra.s32 s30, $0x2;
	v4 =	vld [tilespmem:s29+$0x8A40]  }
0x63: {  	s30 =	sadd.s32 $0x100, s30;
	v2 =	vld [tilespmem:s28+$0x6250];
	v5 =	vadd.f32 v5, v7;
	[tilespmem:s29+$0xB250] =	vst v6  }
0x64: {  	v6 =	vld [tilespmem:s28+$0x8A50]  }
0x65: {  	v7 =	vld [tilespmem:s28+$0x6220];
	[tilespmem:s29+$0xB220] =	vst v5;
	v1 =	vadd.f32 v3, v1  }
0x66: {  	v62 =	vld [tilespmem:s28+$0x8A20]  }
0x67: {  	v5 =	vld [tilespmem:s28+$0x6230];
	[tilespmem:s29+$0xB230] =	vst v1;
	v0 =	vadd.f32 v4, v0  }
0x68: {  	v1 =	vld [tilespmem:s28+$0x8A30]  }
0x69: {  	v63 =	vld [tilespmem:s28+$0x6240];
	[tilespmem:s29+$0xB240] =	vst v0  }
0x6a: {  	v0 =	vld [tilespmem:s28+$0x8A40];
	_ =	sdelay $0x1  }
0x6b: {  	s25 =	sadd.s32 $0x1, s25;
	v2 =	vadd.f32 v6, v2  }
0x6c: {  	p0 =	sne.s32 s25, $0x3E;
	v3 =	vadd.f32 v62, v7  }
.Ltmp2:
0x6d: {  	s26 =	sadd.s32 s6, s26;
	[tilespmem:s28+$0xB250] =	vst v2;
	v1 =	vadd.f32 v1, v5;
	(pc) =	sbr.rel @p0 .LBB2_2-.Ltmp2, $4  }
0x6e: {  	s26 =	sshll.u32 s26, $0x3;
	[tilespmem:s28+$0xB220] =	vst v3;
	v0 =	vadd.f32 v0, v63  }
0x6f: {  	s26 =	sand.u32 $0x1FFFFF80, s26;
	[tilespmem:s28+$0xB230] =	vst v1  }
0x70: {  	s26 =	sadd.s32 s5, s26;
	[tilespmem:s28+$0xB240] =	vst v0  }
0x71: {  	[hbm4b:s26+s3] =	stream.linear.scatter [tilespmem:s21], [sflag:$0x4], $0x1400, $0x38;
	[tilespmem:$0xC620] =	vst v63  }
0x72: {  	_ =	swait.ge [sflag:s16], $0x1400  }
0x73: {  	[sflag:s16] =	ssyncset.done $0x0  }
0x74: {  	[sflag:s16] =	ssyncadd.s32 $0xFFFFEC00  }
0x75: {  	_ =	swait.ge [sflag:s16], $0x1400  }
0x76: {  	[sflag:s16] =	ssyncset.done $0x0  }
0x77: {  	[sflag:s16] =	ssyncadd.s32 $0xFFFFEC00  }
0x78: {  	_ =	swait.ge [sflag:s22], $0x1400  }
0x79: {  	[sflag:s22] =	ssyncset.done $0x0  }
0x7a: {  	s25 =	simm.s32 $0x0;
	[sflag:s22] =	ssyncadd.s32 $0xFFFFEC00  }
0x7b: {  	v2 =	vld [tilespmem:s25+$0x4E50]  }
0x7c: {  	v4 =	vld [tilespmem:s25+$0x7650]  }
0x7d: {  	v5 =	vld [tilespmem:s25+$0x4E20]  }
0x7e: {  	v6 =	vld [tilespmem:s25+$0x7620]  }
0x7f: {  	v1 =	vld [tilespmem:s25+$0x4E30]  }
0x80: {  	v3 =	vld [tilespmem:s25+$0x7630]  }
0x81: {  	v0 =	vld [tilespmem:s25+$0x4E40];
	v7 =	vadd.f32 v4, v2  }
0x82: {  	s26 =	simm.s32 $0x40;
	v4 =	vld [tilespmem:s25+$0x7640]  }
0x83: {  	s28 =	simm.s32 $0x200;
	v2 =	vld [tilespmem:s26+$0x4E50];
	v5 =	vadd.f32 v6, v5;
	[tilespmem:s25+$0x9E50] =	vst v7  }
.LBB2_8:
0x84: {  	p0 =	sne.s32 s28, $0x4F00;
	v6 =	vld [tilespmem:s26+$0x7650]  }
0x85: {  	v7 =	vld [tilespmem:s26+$0x4E20];
	[tilespmem:s25+$0x9E20] =	vst v5;
	v3 =	vadd.f32 v3, v1  }
0x86: {  	v5 =	vld [tilespmem:s26+$0x7620]  }
.Ltmp3:
0x87: {  	v1 =	vld [tilespmem:s26+$0x4E30];
	[tilespmem:s25+$0x9E30] =	vst v3;
	v4 =	vadd.f32 v4, v0;
	(pc) =	sbr.rel @p0 .LBB2_8-.Ltmp3, $4  }
0x88: {  	v3 =	vld [tilespmem:s26+$0x7630]  }
0x89: {  	v0 =	vld [tilespmem:s26+$0x4E40];
	v6 =	vadd.f32 v6, v2;
	[tilespmem:s25+$0x9E40] =	vst v4;
	s25 =	smov.u32 s26  }
0x8a: {  	s26 =	sshra.s32 s28, $0x2;
	v4 =	vld [tilespmem:s25+$0x7640]  }
0x8b: {  	s28 =	sadd.s32 $0x100, s28;
	v2 =	vld [tilespmem:s26+$0x4E50];
	v5 =	vadd.f32 v5, v7;
	[tilespmem:s25+$0x9E50] =	vst v6  }
0x8c: {  	v6 =	vld [tilespmem:s26+$0x7650]  }
0x8d: {  	v7 =	vld [tilespmem:s26+$0x4E20];
	[tilespmem:s25+$0x9E20] =	vst v5;
	v1 =	vadd.f32 v3, v1  }
0x8e: {  	v62 =	vld [tilespmem:s26+$0x7620]  }
0x8f: {  	v5 =	vld [tilespmem:s26+$0x4E30];
	[tilespmem:s25+$0x9E30] =	vst v1;
	v0 =	vadd.f32 v4, v0  }
0x90: {  	v1 =	vld [tilespmem:s26+$0x7630]  }
0x91: {  	v63 =	vld [tilespmem:s26+$0x4E40];
	[tilespmem:s25+$0x9E40] =	vst v0  }
0x92: {  	v0 =	vld [tilespmem:s26+$0x7640];
	_ =	sdelay $0x1  }
0x93: {  	v2 =	vadd.f32 v6, v2  }
0x94: {  	v3 =	vadd.f32 v62, v7  }
0x95: {  	[tilespmem:s26+$0x9E50] =	vst v2;
	v1 =	vadd.f32 v1, v5  }
0x96: {  	[tilespmem:s26+$0x9E20] =	vst v3;
	v0 =	vadd.f32 v0, v63  }
0x97: {  	[tilespmem:s26+$0x9E30] =	vst v1  }
0x98: {  	s24 =	sadd.s32 $0x1, s24;
	[tilespmem:s26+$0x9E40] =	vst v0  }
0x99: {  	[hbm4b:s9+s3] =	stream.linear.scatter [tilespmem:s19], [sflag:$0x3], $0x1400, $0x38;
	[tilespmem:$0xC620] =	vst v63  }
0x9a: {  	p0 =	sne.s32 s24, s10;
	_ =	swait.ge [sflag:s22], $0x1400  }
.Ltmp4:
0x9b: {  	[sflag:s22] =	ssyncset.done $0x0;
	(pc) =	sbr.rel @p0 .LBB2_1-.Ltmp4, $4  }
0x9c: {  	[sflag:s22] =	ssyncadd.s32 $0xFFFFEC00  }
0x9d: {  	_ =	swait.ge [sflag:s23], $0x1400  }
0x9e: {  	[sflag:s23] =	ssyncset.done $0x0  }
0x9f: {  	[sflag:s23] =	ssyncadd.s32 $0xFFFFEC00  }
0xa0: {  	_ =	sfence.sel $0x180000  }
0xa1: {  	[bflag:$0x0] =	sbarrier.arrive $0xFFFF  }
0xa2: {  	p0 =	sne.s32 s0, $0x0;
	_ =	strace $0x90000047  }
0xa3: {  	s0 =	sadd.s32 @!p0 $0x100000, s1;
	[bflag:$0x2] =	sbarrier.arrive $0xFFFF  }
0xa4: {  	[sflag:s0] =	ssyncadd.tile.s32 @!p0 $0x1;
	_ =	shalt  }
.Lfunc_end2:
_tile_overlayer_lowered:
.L_overlay_start_2:
0xa5: {  	(tag) =	ssettag $0x2  }
0xa6: {  	s0 =	rddreg [dreg:$0x0];
	s2 =	stileid.u32  }
0xa7: {  	s1 =	rddreg [dreg:$0x1];
	p0 =	sne.s32 s2, $0x0  }
0xa8: {  	s3 =	rddreg [dreg:$0x2];
	[bflag:$0x3] =	sbarrier.arrive $0xFFFF;
	s2 =	simm.s32 @!p0 $0x1C05  }
0xa9: {  	[timem:s3], [sflag:s2] =	dma.local @!p0 [hbm:s0], s1  }
0xaa: {  	s0 =	simm.s32 @!p0 $0x5  }
0xab: {  	_ =	swait.ge @!p0 [sflag:s0], s1  }
0xac: {  	s1 =	ssub.s32 @!p0 $0x0, s1;
	[sflag:s0] =	ssyncset.done @!p0 $0x0  }
0xad: {  	[sflag:s0] =	ssyncadd.s32 @!p0 s1  }
0xae: {  	[bflag:$0x3] =	sbarrier.arrive $0xFFFF  }
0xaf: {  	_ =	shalt  }

</sc_bundles>
